<compile_context>
chip_gen: v7x
topology: tpu7x:2x2x1
jax: 0.10.2.dev20260603
libtpu: 0.0.44.dev20260713+nightly
codegen_flags: <defaults>
</compile_context>

<pallas_src>
import functools

import jax
import jax.numpy as jnp
from jax import lax
from jax.experimental import pallas as pl
from jax.experimental.pallas import tpu as pltpu
from jax.experimental.pallas import tpu_sc as plsc

N = 10000
H = 128
HH = H // 2
E = 320000
G = 512
NP = 10240
CH = 128
NBUF = 2
C = 158
EPAD = 16 * C * CH
STRIPE = NP // 16

BLK = 1000
NB = N // BLK
IB = 1024


_sc_mesh = plsc.VectorSubcoreMesh(core_axis_name="c", subcore_axis_name="s")


@functools.partial(
    pl.kernel,
    out_type=[
        jax.ShapeDtypeStruct((2, NP, HH), jnp.bfloat16),
        jax.ShapeDtypeStruct((2, NP, 16), jnp.float32),
    ],
    mesh=_sc_mesh,
    scratch_types=[
        pltpu.VMEM((C, CH), jnp.int32),
        pltpu.VMEM((C, CH), jnp.int32),
        pltpu.VMEM((NBUF, CH, HH), jnp.bfloat16),
        pltpu.VMEM((CH, 16), jnp.float32),
        pltpu.VMEM_SHARED((NP, HH), jnp.bfloat16),
        pltpu.VMEM_SHARED((NP, 16), jnp.float32),
        [pltpu.SemaphoreType.DMA] * NBUF,
        [pltpu.SemaphoreType.DMA] * NBUF,
        pltpu.SemaphoreType.DMA,
    ],
    compiler_params=pltpu.CompilerParams(use_tc_tiling_on_sc=False),
)
def _sc_edges(x2_hbm, srcs_hbm, dsts_hbm, out_sum, out_deg,
              src_v, dst_v, rows_v, ones_v, acc_sh, deg_sh,
              sem_g, sem_s, sem_d):
    cid = lax.axis_index("c")
    sid = lax.axis_index("s")

    pltpu.sync_copy(srcs_hbm.at[cid, sid], src_v)
    pltpu.sync_copy(dsts_hbm.at[sid], dst_v)

    zeros16 = jnp.zeros((16,), jnp.float32)
    ones16 = jnp.full((16,), 1.0, jnp.float32)
    zeros32b = jnp.zeros((32,), jnp.bfloat16)

    def _zrows(i, carry):
        r = i // (HH // 32)
        c = i % (HH // 32)
        rows_v[0, r, pl.ds(c * 32, 32)] = zeros32b
        return carry

    lax.fori_loop(0, CH * HH // 32, _zrows, 0)

    def _fill(i, carry):
        ones_v[i, :] = zeros16
        return carry

    lax.fori_loop(0, CH, _fill, 0)
    for k in range(STRIPE // CH):
        pltpu.sync_copy(rows_v.at[0], acc_sh.at[pl.ds(sid * STRIPE + k * CH, CH)])
        pltpu.sync_copy(ones_v, deg_sh.at[pl.ds(sid * STRIPE + k * CH, CH)])

    def _fill2(i, carry):
        ones_v[i, :] = ones16
        return carry

    lax.fori_loop(0, CH, _fill2, 0)
    plsc.subcore_barrier()

    for b in range(NBUF):
        pltpu.async_copy(x2_hbm.at[src_v.at[b]], rows_v.at[b], sem_g[b])

    @pl.loop(0, C, step=NBUF)
    def _chunks(j):
        for b in range(NBUF):
            k = j + b
            pltpu.make_async_copy(x2_hbm.at[src_v.at[k]], rows_v.at[b],
                                  sem_g[b]).wait()
            pltpu.async_copy(rows_v.at[b], acc_sh.at[dst_v.at[k]],
                             sem_s[b], add=True)

            @pl.when(cid == (b % 2))
            def _():
                if b < 2:
                    @pl.when(j > 0)
                    def _():
                        pltpu.make_async_copy(ones_v, deg_sh.at[dst_v.at[k]],
                                              sem_d).wait()
                else:
                    pltpu.make_async_copy(ones_v, deg_sh.at[dst_v.at[k]],
                                          sem_d).wait()

                pltpu.async_copy(ones_v, deg_sh.at[dst_v.at[k]], sem_d, add=True)

        for b in range(NBUF):
            k = j + b
            pltpu.make_async_copy(rows_v.at[b], acc_sh.at[dst_v.at[k]],
                                  sem_s[b]).wait()

            @pl.when(k + NBUF < C)
            def _():
                pltpu.async_copy(x2_hbm.at[src_v.at[k + NBUF]], rows_v.at[b],
                                 sem_g[b])

    pltpu.make_async_copy(ones_v, deg_sh.at[dst_v.at[0]], sem_d).wait()
    plsc.subcore_barrier()

    pltpu.sync_copy(acc_sh.at[pl.ds(sid * STRIPE, STRIPE)],
                    out_sum.at[cid, pl.ds(sid * STRIPE, STRIPE)])
    pltpu.sync_copy(deg_sh.at[pl.ds(sid * STRIPE, STRIPE)],
                    out_deg.at[cid, pl.ds(sid * STRIPE, STRIPE)])


def _gru_pool_body(x_ref, xs_ref, degp_ref, b3_ref, wml_ref, bml_ref,
                   wih_ref, whh_ref, bih_ref, bhh_ref, gsum_ref, gcnt_ref):
    i = pl.program_id(0)

    def _dot_t(a, w):
        return lax.dot_general(a, w, (((1,), (1,)), ((), ())),
                               preferred_element_type=jnp.float32)

    x = x_ref[...]
    deg = jnp.maximum(degp_ref[0, :, 0] + degp_ref[1, :, 0], 1.0)
    xsum = jnp.concatenate([xs_ref[0], xs_ref[1]], axis=-1).astype(jnp.float32)
    xavg = xsum / deg[:, None]
    wml = wml_ref[...]
    bml = bml_ref[...]
    h0 = _dot_t(x, wml) + bml
    msg = _dot_t(xavg, wml) + bml
    gi = _dot_t(msg, wih_ref[...]) + bih_ref[...]
    gh = _dot_t(h0, whh_ref[...]) + bhh_ref[...]
    r = jax.nn.sigmoid(gi[:, :H] + gh[:, :H])
    z = jax.nn.sigmoid(gi[:, H:2 * H] + gh[:, H:2 * H])
    n = jnp.tanh(gi[:, 2 * H:] + r * gh[:, 2 * H:])
    h1 = (1.0 - z) * n + z * h0

    bid = b3_ref[0, 0, :]
    gids = lax.broadcasted_iota(jnp.int32, (G, BLK), 0)
    p = (gids == bid[None, :]).astype(jnp.float32)
    ps = jnp.dot(p, h1, preferred_element_type=jnp.float32)
    pc = jnp.sum(p, axis=1, keepdims=True)

    @pl.when(i == 0)
    def _():
        gsum_ref[...] = jnp.zeros_like(gsum_ref)
        gcnt_ref[...] = jnp.zeros_like(gcnt_ref)

    gsum_ref[...] += ps
    gcnt_ref[...] += jnp.broadcast_to(pc, (G, H))


_gru_pool = pl.pallas_call(
    _gru_pool_body,
    grid=(NB,),
    in_specs=[
        pl.BlockSpec((BLK, H), lambda i: (i, 0)),
        pl.BlockSpec((2, BLK, HH), lambda i: (0, i, 0)),
        pl.BlockSpec((2, BLK, 16), lambda i: (0, i, 0)),
        pl.BlockSpec((1, 1, BLK), lambda i: (i, 0, 0)),
        pl.BlockSpec((H, H), lambda i: (0, 0)),
        pl.BlockSpec((1, H), lambda i: (0, 0)),
        pl.BlockSpec((3 * H, H), lambda i: (0, 0)),
        pl.BlockSpec((3 * H, H), lambda i: (0, 0)),
        pl.BlockSpec((1, 3 * H), lambda i: (0, 0)),
        pl.BlockSpec((1, 3 * H), lambda i: (0, 0)),
    ],
    out_specs=[
        pl.BlockSpec((G, H), lambda i: (0, 0)),
        pl.BlockSpec((G, H), lambda i: (0, 0)),
    ],
    out_shape=[
        jax.ShapeDtypeStruct((G, H), jnp.float32),
        jax.ShapeDtypeStruct((G, H), jnp.float32),
    ],
)


def _fc_body(gsum_ref, gcnt_ref, wfc_ref, bfc_ref, out_ref):
    g = gsum_ref[...] / jnp.maximum(gcnt_ref[:, :1], 1.0)
    out_ref[...] = (lax.dot_general(g, wfc_ref[...], (((1,), (1,)), ((), ())),
                                    preferred_element_type=jnp.float32)
                    + bfc_ref[...])


def _make_fc(ni):
    nblocks = -(-ni // IB)
    return pl.pallas_call(
        _fc_body,
        grid=(nblocks,),
        in_specs=[
            pl.BlockSpec((G, H), lambda j: (0, 0)),
            pl.BlockSpec((G, H), lambda j: (0, 0)),
            pl.BlockSpec((IB, H), lambda j: (j, 0)),
            pl.BlockSpec((1, IB), lambda j: (0, j)),
        ],
        out_specs=pl.BlockSpec((G, IB), lambda j: (0, j)),
        out_shape=jax.ShapeDtypeStruct((G, ni), jnp.float32),
    )


def kernel(x, edge_index, batch, W_ml, b_ml, W_ih, W_hh, b_ih, b_hh, W_fc, b_fc):
    ni = W_fc.shape[0]
    src = edge_index[0].astype(jnp.int32)
    dst = edge_index[1].astype(jnp.int32)
    srcs = jnp.concatenate([src, jnp.zeros((EPAD - E,), jnp.int32)]).reshape(16, C, CH)
    srcs2 = jnp.stack([srcs, srcs + N])
    dsts = jnp.concatenate([dst, jnp.full((EPAD - E,), N, jnp.int32)]).reshape(16, C, CH)
    x2 = jnp.concatenate([x[:, :HH], x[:, HH:]], axis=0).astype(jnp.bfloat16)
    batch3 = batch.astype(jnp.int32).reshape(NB, 1, BLK)

    xsum, deg = _sc_edges(x2, srcs2, dsts)

    gsum, gcnt = _gru_pool(
        x, xsum, deg, batch3,
        W_ml, b_ml.reshape(1, H),
        W_ih, W_hh, b_ih.reshape(1, 3 * H), b_hh.reshape(1, 3 * H),
    )
    scores = _make_fc(ni)(gsum, gcnt, W_fc, b_fc.reshape(1, ni))
    return scores

# --- scband reference (transcript-rebuilt; emitter-appended) ---
"""Pipeline reference for scband-sr-gnn-42417097017245 (READ-ONLY COPY).

The authoritative reference and input builder live on the scoring server;
editing this copy changes nothing except your own understanding.
"""

import jax, jax.numpy as jnp
import numpy as np

N_NODES = 10000
N_EDGES = 320000
HIDDEN = 128
NUM_ITEMS = 10000
NUM_GRAPHS = 512
NUM_ITER = 1


def setup_inputs(seed: int = 0) -> dict:
    key = jax.random.key(seed)
    ks = jax.random.split(key, 12)
    x = jax.random.normal(ks[0], (N_NODES, HIDDEN), dtype=jnp.float32)
    edge_index = jax.random.randint(ks[1], (2, N_EDGES), 0, N_NODES, dtype=jnp.int64)
    batch = jnp.sort(jax.random.randint(ks[2], (N_NODES,), 0, NUM_GRAPHS, dtype=jnp.int64))
    s = 0.05
    W_ml = jax.random.normal(ks[3], (HIDDEN, HIDDEN), dtype=jnp.float32) * s
    b_ml = jax.random.normal(ks[4], (HIDDEN,), dtype=jnp.float32) * s
    W_ih = jax.random.normal(ks[5], (3 * HIDDEN, HIDDEN), dtype=jnp.float32) * s
    W_hh = jax.random.normal(ks[6], (3 * HIDDEN, HIDDEN), dtype=jnp.float32) * s
    b_ih = jax.random.normal(ks[7], (3 * HIDDEN,), dtype=jnp.float32) * s
    b_hh = jax.random.normal(ks[8], (3 * HIDDEN,), dtype=jnp.float32) * s
    W_fc = jax.random.normal(ks[9], (NUM_ITEMS, HIDDEN), dtype=jnp.float32) * s
    b_fc = jax.random.normal(ks[10], (NUM_ITEMS,), dtype=jnp.float32) * s
    return {"x": x, "edge_index": edge_index, "batch": batch,
            "W_ml": W_ml, "b_ml": b_ml, "W_ih": W_ih, "W_hh": W_hh,
            "b_ih": b_ih, "b_hh": b_hh, "W_fc": W_fc, "b_fc": b_fc}


def _gru_cell(inp, h, W_ih, W_hh, b_ih, b_hh):
    gi = inp @ W_ih.T + b_ih
    gh = h @ W_hh.T + b_hh
    i_r, i_z, i_n = jnp.split(gi, 3, axis=-1)
    h_r, h_z, h_n = jnp.split(gh, 3, axis=-1)
    r = jax.nn.sigmoid(i_r + h_r)
    z = jax.nn.sigmoid(i_z + h_z)
    n = jnp.tanh(i_n + r * h_n)
    return (1.0 - z) * n + z * h


def reference(x, edge_index, batch, W_ml, b_ml, W_ih, W_hh, b_ih, b_hh, W_fc, b_fc):
    N = x.shape[0]
    src = edge_index[0]
    dst = edge_index[1]
    # message_linear
    h = x @ W_ml.T + b_ml
    # mean-aggregation message passing + GRU update, num_iterations times
    deg = jax.ops.segment_sum(jnp.ones((src.shape[0],), dtype=h.dtype), dst, num_segments=N)
    deg = jnp.clip(deg, 1.0)[:, None]
    for _ in range(NUM_ITER):
        msg_sum = jax.ops.segment_sum(h[src], dst, num_segments=N)
        messages = msg_sum / deg
        h = _gru_cell(messages, h, W_ih, W_hh, b_ih, b_hh)
    # global mean pool over graphs
    gsum = jax.ops.segment_sum(h, batch, num_segments=NUM_GRAPHS)
    gcnt = jax.ops.segment_sum(jnp.ones((N,), dtype=h.dtype), batch, num_segments=NUM_GRAPHS)
    g = gsum / jnp.clip(gcnt, 1.0)[:, None]
    scores = g @ W_fc.T + b_fc
    return scores

if __name__ == "__main__":
    import jax
    _d = setup_inputs()
    print(jax.jit(kernel)(*tuple(_d.values())))

</pallas_src>

<mosaic_0001>
#map = affine_map<(d0, d1) -> (0, 0)>
#map1 = affine_map<(d0, d1) -> (0, 0, 0, 0)>
#map2 = affine_map<(d0, d1) -> (0, 0, 0)>
module attributes {stable_mosaic.version = 14 : i64} {
  func.func @_sc_edges(%arg0: i32, %arg1: i32, %arg2: memref<20000x64xbf16, #tpu.memory_space<hbm>>, %arg3: memref<2x16x158x128xi32, #tpu.memory_space<hbm>>, %arg4: memref<16x158x128xi32, #tpu.memory_space<hbm>>, %arg5: memref<2x10240x64xbf16, #tpu.memory_space<hbm>>, %arg6: memref<2x10240x16xf32, #tpu.memory_space<hbm>>, %arg7: memref<158x128xi32, #tpu.memory_space<vmem>>, %arg8: memref<158x128xi32, #tpu.memory_space<vmem>>, %arg9: memref<2x128x64xbf16, #tpu.memory_space<vmem>>, %arg10: memref<128x16xf32, #tpu.memory_space<vmem>>, %arg11: memref<10240x64xbf16, #tpu.memory_space<vmem_shared>>, %arg12: memref<10240x16xf32, #tpu.memory_space<vmem_shared>>, %arg13: memref<!tpu.dma_semaphore, #tpu.memory_space<semaphore_mem>>, %arg14: memref<!tpu.dma_semaphore, #tpu.memory_space<semaphore_mem>>, %arg15: memref<!tpu.dma_semaphore, #tpu.memory_space<semaphore_mem>>, %arg16: memref<!tpu.dma_semaphore, #tpu.memory_space<semaphore_mem>>, %arg17: memref<!tpu.dma_semaphore, #tpu.memory_space<semaphore_mem>>) attributes {dimension_semantics = [#tpu.dimension_semantics<core_parallel>, #tpu.dimension_semantics<subcore_parallel>], iteration_bounds = array<i64: 2, 16>, scalar_prefetch = 0 : i64, scratch_operands = 11 : i64, tpu.core_type = #tpu.core_type<sc_vector_subcore>, window_params = [{transform_indices = #map}, {transform_indices = #map1}, {transform_indices = #map2}, {transform_indices = #map2}, {transform_indices = #map2}]} {
    "tpu.region"() ({
      %run_scoped3A_107 = tpu.sem_alloc : memref<!tpu.dma_semaphore, #tpu.memory_space<semaphore_mem>>
      %dma_start3A_108 = arith.constant 0 : i32
      %dma_start3A_109 = arith.constant 0 : i32
      %dma_start3A_110 = tpu.memref_slice %arg3[%arg0, %arg1, %dma_start3A_108, %dma_start3A_109] : memref<2x16x158x128xi32, #tpu.memory_space<hbm>> -> memref<1x1x158x128xi32, #tpu.memory_space<hbm>>
      %dma_start3A_111 = tpu.memref_squeeze %dma_start3A_110 : memref<1x1x158x128xi32, #tpu.memory_space<hbm>> -> memref<158x128xi32, #tpu.memory_space<hbm>>
      %dma_start3A_112 = arith.constant 0 : i32
      %dma_start3A_113 = arith.constant 0 : i32
      %dma_start3A_114 = tpu.memref_slice %arg3[%arg0, %arg1, %dma_start3A_112, %dma_start3A_113] : memref<2x16x158x128xi32, #tpu.memory_space<hbm>> -> memref<1x1x158x128xi32, #tpu.memory_space<hbm>>
      %dma_start3A_115 = tpu.memref_squeeze %dma_start3A_114 : memref<1x1x158x128xi32, #tpu.memory_space<hbm>> -> memref<158x128xi32, #tpu.memory_space<hbm>>
      tpu.enqueue_dma source(%dma_start3A_115 : memref<158x128xi32, #tpu.memory_space<hbm>>) target(%arg7 : memref<158x128xi32, #tpu.memory_space<vmem>>) target_semaphore(%run_scoped3A_107 : memref<!tpu.dma_semaphore, #tpu.memory_space<semaphore_mem>>)
      %dma_wait3A_116 = arith.constant 0 : i32
      %dma_wait3A_117 = arith.constant 0 : i32
      %dma_wait3A_118 = tpu.memref_slice %arg3[%arg0, %arg1, %dma_wait3A_116, %dma_wait3A_117] : memref<2x16x158x128xi32, #tpu.memory_space<hbm>> -> memref<1x1x158x128xi32, #tpu.memory_space<hbm>>
      %dma_wait3A_119 = tpu.memref_squeeze %dma_wait3A_118 : memref<1x1x158x128xi32, #tpu.memory_space<hbm>> -> memref<158x128xi32, #tpu.memory_space<hbm>>
      %dma_wait3A_120 = arith.constant 0 : i32
      %dma_wait3A_121 = arith.constant 0 : i32
      %dma_wait3A_122 = tpu.memref_slice %arg3[%arg0, %arg1, %dma_wait3A_120, %dma_wait3A_121] : memref<2x16x158x128xi32, #tpu.memory_space<hbm>> -> memref<1x1x158x128xi32, #tpu.memory_space<hbm>>
      %dma_wait3A_123 = tpu.memref_squeeze %dma_wait3A_122 : memref<1x1x158x128xi32, #tpu.memory_space<hbm>> -> memref<158x128xi32, #tpu.memory_space<hbm>>
      tpu.wait_dma2 semaphore(%run_scoped3A_107 : memref<!tpu.dma_semaphore, #tpu.memory_space<semaphore_mem>>) src(%dma_wait3A_123 : memref<158x128xi32, #tpu.memory_space<hbm>>) dst(%arg7 : memref<158x128xi32, #tpu.memory_space<vmem>>)
      tpu.yield
    }) : () -> ()
    "tpu.region"() ({
      %run_scoped3A_107 = tpu.sem_alloc : memref<!tpu.dma_semaphore, #tpu.memory_space<semaphore_mem>>
      %dma_start3A_108 = arith.constant 0 : i32
      %dma_start3A_109 = arith.constant 0 : i32
      %dma_start3A_110 = tpu.memref_slice %arg4[%arg1, %dma_start3A_108, %dma_start3A_109] : memref<16x158x128xi32, #tpu.memory_space<hbm>> -> memref<1x158x128xi32, #tpu.memory_space<hbm>>
      %dma_start3A_111 = tpu.memref_squeeze %dma_start3A_110 : memref<1x158x128xi32, #tpu.memory_space<hbm>> -> memref<158x128xi32, #tpu.memory_space<hbm>>
      %dma_start3A_112 = arith.constant 0 : i32
      %dma_start3A_113 = arith.constant 0 : i32
      %dma_start3A_114 = tpu.memref_slice %arg4[%arg1, %dma_start3A_112, %dma_start3A_113] : memref<16x158x128xi32, #tpu.memory_space<hbm>> -> memref<1x158x128xi32, #tpu.memory_space<hbm>>
      %dma_start3A_115 = tpu.memref_squeeze %dma_start3A_114 : memref<1x158x128xi32, #tpu.memory_space<hbm>> -> memref<158x128xi32, #tpu.memory_space<hbm>>
      tpu.enqueue_dma source(%dma_start3A_115 : memref<158x128xi32, #tpu.memory_space<hbm>>) target(%arg8 : memref<158x128xi32, #tpu.memory_space<vmem>>) target_semaphore(%run_scoped3A_107 : memref<!tpu.dma_semaphore, #tpu.memory_space<semaphore_mem>>)
      %dma_wait3A_116 = arith.constant 0 : i32
      %dma_wait3A_117 = arith.constant 0 : i32
      %dma_wait3A_118 = tpu.memref_slice %arg4[%arg1, %dma_wait3A_116, %dma_wait3A_117] : memref<16x158x128xi32, #tpu.memory_space<hbm>> -> memref<1x158x128xi32, #tpu.memory_space<hbm>>
      %dma_wait3A_119 = tpu.memref_squeeze %dma_wait3A_118 : memref<1x158x128xi32, #tpu.memory_space<hbm>> -> memref<158x128xi32, #tpu.memory_space<hbm>>
      %dma_wait3A_120 = arith.constant 0 : i32
      %dma_wait3A_121 = arith.constant 0 : i32
      %dma_wait3A_122 = tpu.memref_slice %arg4[%arg1, %dma_wait3A_120, %dma_wait3A_121] : memref<16x158x128xi32, #tpu.memory_space<hbm>> -> memref<1x158x128xi32, #tpu.memory_space<hbm>>
      %dma_wait3A_123 = tpu.memref_squeeze %dma_wait3A_122 : memref<1x158x128xi32, #tpu.memory_space<hbm>> -> memref<158x128xi32, #tpu.memory_space<hbm>>
      tpu.wait_dma2 semaphore(%run_scoped3A_107 : memref<!tpu.dma_semaphore, #tpu.memory_space<semaphore_mem>>) src(%dma_wait3A_123 : memref<158x128xi32, #tpu.memory_space<hbm>>) dst(%arg8 : memref<158x128xi32, #tpu.memory_space<vmem>>)
      tpu.yield
    }) : () -> ()
    %broadcast_in_dim3A = arith.constant 0.000000e+00 : f32
    %broadcast_in_dim3A_0 = vector.broadcast %broadcast_in_dim3A : f32 to vector<16xf32>
    %broadcast_in_dim3A_1 = arith.constant 1.000000e+00 : f32
    %broadcast_in_dim3A_2 = vector.broadcast %broadcast_in_dim3A_1 : f32 to vector<16xf32>
    %broadcast_in_dim3A_3 = arith.constant 0.000000e+00 : bf16
    %broadcast_in_dim3A_4 = vector.broadcast %broadcast_in_dim3A_3 : bf16 to vector<32xbf16>
    %scan3A = arith.constant 0 : i32
    %scan3A_5 = arith.constant 0 : i32
    %scan3A_6 = arith.constant 256 : i32
    %scan3A_7 = arith.addi %scan3A_5, %scan3A_6 : i32
    %scan3A_8 = arith.constant 1 : i32
    scf.for %scan3A_107 = %scan3A_5 to %scan3A_7 step %scan3A_8  : i32 {
      %jit3A = arith.constant 2 : i32
      %div3A = arith.divsi %scan3A_107, %jit3A : i32
      %sign3A = arith.constant 0 : i32
      %sign3A_108 = arith.cmpi sgt, %scan3A_107, %sign3A : i32
      %sign3A_109 = arith.extui %sign3A_108 : i1 to i32
      %sign3A_110 = arith.constant 0 : i32
      %sign3A_111 = arith.cmpi slt, %scan3A_107, %sign3A_110 : i32
      %sign3A_112 = arith.extui %sign3A_111 : i1 to i32
      %sign3A_113 = arith.subi %sign3A_109, %sign3A_112 : i32
      %sign3A_114 = arith.constant 0 : i32
      %sign3A_115 = arith.cmpi sgt, %jit3A, %sign3A_114 : i32
      %sign3A_116 = arith.extui %sign3A_115 : i1 to i32
      %sign3A_117 = arith.constant 0 : i32
      %sign3A_118 = arith.cmpi slt, %jit3A, %sign3A_117 : i32
      %sign3A_119 = arith.extui %sign3A_118 : i1 to i32
      %sign3A_120 = arith.subi %sign3A_116, %sign3A_119 : i32
      %ne3A = arith.cmpi ne, %sign3A_113, %sign3A_120 : i32
      %rem3A = arith.remsi %scan3A_107, %jit3A : i32
      %ne3A_121 = arith.constant 0 : i32
      %ne3A_122 = arith.cmpi ne, %rem3A, %ne3A_121 : i32
      %and3A = arith.andi %ne3A, %ne3A_122 : i1
      %sub3A = arith.constant 1 : i32
      %sub3A_123 = arith.subi %div3A, %sub3A : i32
      %select_n3A = arith.select %and3A, %sub3A_123, %div3A : i32
      %jit3A_124 = arith.constant 2 : i32
      %eq3A = arith.constant 0 : i32
      %eq3A_125 = arith.cmpi eq, %jit3A_124, %eq3A : i32
      %jit3A_126 = arith.constant 1 : i32
      %select_n3A_127 = arith.select %eq3A_125, %jit3A_126, %jit3A_124 : i32
      %rem3A_128 = arith.remsi %scan3A_107, %select_n3A_127 : i32
      %ne3A_129 = arith.constant 0 : i32
      %ne3A_130 = arith.cmpi ne, %rem3A_128, %ne3A_129 : i32
      %lt3A = arith.constant 0 : i32
      %lt3A_131 = arith.cmpi slt, %rem3A_128, %lt3A : i32
      %lt3A_132 = arith.constant 0 : i32
      %lt3A_133 = arith.cmpi slt, %select_n3A_127, %lt3A_132 : i32
      %ne3A_134 = arith.xori %lt3A_131, %lt3A_133 : i1
      %and3A_135 = arith.andi %ne3A_134, %ne3A_130 : i1
      %add3A_136 = arith.addi %rem3A_128, %select_n3A_127 : i32
      %select_n3A_137 = arith.select %and3A_135, %add3A_136, %rem3A_128 : i32
      %mul3A_138 = arith.constant 32 : i32
      %mul3A_139 = arith.muli %select_n3A_137, %mul3A_138 : i32
      %swap3A = arith.constant 0 : i32
      %swap3A_140 = arith.index_cast %swap3A : i32 to index
      %swap3A_141 = arith.index_cast %select_n3A : i32 to index
      %swap3A_142 = arith.index_cast %mul3A_139 : i32 to index
      %swap3A_143 = tpu.vector_load %arg9[%swap3A_140, %swap3A_141, %swap3A_142] {strides = array<i32>} : memref<2x128x64xbf16, #tpu.memory_space<vmem>>, vector<1x1x32xbf16>,
      %swap3A_144 = vector.shape_cast %swap3A_143 : vector<1x1x32xbf16> to vector<32xbf16>
      %swap3A_145 = vector.shape_cast %broadcast_in_dim3A_4 : vector<32xbf16> to vector<1x1x32xbf16>
      tpu.vector_store %arg9[%swap3A_140, %swap3A_141, %swap3A_142], %swap3A_145 {strides = array<i32>} : memref<2x128x64xbf16, #tpu.memory_space<vmem>>, vector<1x1x32xbf16>,
    }
    %scan3A_9 = arith.constant 256 : i32
    %scan3A_10 = arith.constant 0 : i32
    %scan3A_11 = arith.constant 0 : i32
    %scan3A_12 = arith.constant 128 : i32
    %scan3A_13 = arith.addi %scan3A_11, %scan3A_12 : i32
    %scan3A_14 = arith.constant 1 : i32
    scf.for %scan3A_107 = %scan3A_11 to %scan3A_13 step %scan3A_14  : i32 {
      %swap3A = arith.index_cast %scan3A_107 : i32 to index
      %swap3A_108 = arith.constant 0 : index
      %swap3A_109 = tpu.vector_load %arg10[%swap3A, %swap3A_108] {strides = array<i32>} : memref<128x16xf32, #tpu.memory_space<vmem>>, vector<1x16xf32>,
      %swap3A_110 = vector.shape_cast %swap3A_109 : vector<1x16xf32> to vector<16xf32>
      %swap3A_111 = vector.shape_cast %broadcast_in_dim3A_0 : vector<16xf32> to vector<1x16xf32>
      tpu.vector_store %arg10[%swap3A, %swap3A_108], %swap3A_111 {strides = array<i32>} : memref<128x16xf32, #tpu.memory_space<vmem>>, vector<1x16xf32>,
    }
    %scan3A_15 = arith.constant 128 : i32
    %mul3A = arith.constant 640 : i32
    %mul3A_16 = arith.muli %arg1, %mul3A : i32
    %add3A = arith.constant 0 : i32
    %add3A_17 = arith.addi %mul3A_16, %add3A : i32
    %run_scoped3A = arith.constant 0 : i32
    "tpu.region"() ({
      %run_scoped3A_107 = tpu.sem_alloc : memref<!tpu.dma_semaphore, #tpu.memory_space<semaphore_mem>>
      %dma_start3A_108 = arith.constant 0 : i32
      %dma_start3A_109 = arith.constant 0 : i32
      %dma_start3A_110 = tpu.memref_slice %arg9[%run_scoped3A, %dma_start3A_108, %dma_start3A_109] : memref<2x128x64xbf16, #tpu.memory_space<vmem>> -> memref<1x128x64xbf16, #tpu.memory_space<vmem>>
      %dma_start3A_111 = tpu.memref_squeeze %dma_start3A_110 : memref<1x128x64xbf16, #tpu.memory_space<vmem>> -> memref<128x64xbf16, #tpu.memory_space<vmem>>
      %dma_start3A_112 = arith.constant 0 : i32
      %dma_start3A_113 = tpu.memref_slice %arg11[%add3A_17, %dma_start3A_112] : memref<10240x64xbf16, #tpu.memory_space<vmem_shared>> -> memref<128x64xbf16, #tpu.memory_space<vmem_shared>>
      %dma_start3A_114 = arith.constant 0 : i32
      %dma_start3A_115 = tpu.memref_slice %arg11[%add3A_17, %dma_start3A_114] : memref<10240x64xbf16, #tpu.memory_space<vmem_shared>> -> memref<128x64xbf16, #tpu.memory_space<vmem_shared>>
      %dma_start3A_116 = arith.constant 0 : i32
      %dma_start3A_117 = arith.constant 0 : i32
      %dma_start3A_118 = tpu.memref_slice %arg9[%run_scoped3A, %dma_start3A_116, %dma_start3A_117] : memref<2x128x64xbf16, #tpu.memory_space<vmem>> -> memref<1x128x64xbf16, #tpu.memory_space<vmem>>
      %dma_start3A_119 = tpu.memref_squeeze %dma_start3A_118 : memref<1x128x64xbf16, #tpu.memory_space<vmem>> -> memref<128x64xbf16, #tpu.memory_space<vmem>>
      tpu.enqueue_dma source(%dma_start3A_119 : memref<128x64xbf16, #tpu.memory_space<vmem>>) target(%dma_start3A_115 : memref<128x64xbf16, #tpu.memory_space<vmem_shared>>) target_semaphore(%run_scoped3A_107 : memref<!tpu.dma_semaphore, #tpu.memory_space<semaphore_mem>>)
      %dma_wait3A_120 = arith.constant 0 : i32
      %dma_wait3A_121 = arith.constant 0 : i32
      %dma_wait3A_122 = tpu.memref_slice %arg9[%run_scoped3A, %dma_wait3A_120, %dma_wait3A_121] : memref<2x128x64xbf16, #tpu.memory_space<vmem>> -> memref<1x128x64xbf16, #tpu.memory_space<vmem>>
      %dma_wait3A_123 = tpu.memref_squeeze %dma_wait3A_122 : memref<1x128x64xbf16, #tpu.memory_space<vmem>> -> memref<128x64xbf16, #tpu.memory_space<vmem>>
      %dma_wait3A_124 = arith.constant 0 : i32
      %dma_wait3A_125 = tpu.memref_slice %arg11[%add3A_17, %dma_wait3A_124] : memref<10240x64xbf16, #tpu.memory_space<vmem_shared>> -> memref<128x64xbf16, #tpu.memory_space<vmem_shared>>
      %dma_wait3A_126 = arith.constant 0 : i32
      %dma_wait3A_127 = tpu.memref_slice %arg11[%add3A_17, %dma_wait3A_126] : memref<10240x64xbf16, #tpu.memory_space<vmem_shared>> -> memref<128x64xbf16, #tpu.memory_space<vmem_shared>>
      %dma_wait3A_128 = arith.constant 0 : i32
      %dma_wait3A_129 = arith.constant 0 : i32
      %dma_wait3A_130 = tpu.memref_slice %arg9[%run_scoped3A, %dma_wait3A_128, %dma_wait3A_129] : memref<2x128x64xbf16, #tpu.memory_space<vmem>> -> memref<1x128x64xbf16, #tpu.memory_space<vmem>>
      %dma_wait3A_131 = tpu.memref_squeeze %dma_wait3A_130 : memref<1x128x64xbf16, #tpu.memory_space<vmem>> -> memref<128x64xbf16, #tpu.memory_space<vmem>>
      tpu.wait_dma2 semaphore(%run_scoped3A_107 : memref<!tpu.dma_semaphore, #tpu.memory_space<semaphore_mem>>) src(%dma_wait3A_131 : memref<128x64xbf16, #tpu.memory_space<vmem>>) dst(%dma_wait3A_127 : memref<128x64xbf16, #tpu.memory_space<vmem_shared>>)
      tpu.yield
    }) : () -> ()
    %mul3A_18 = arith.constant 640 : i32
    %mul3A_19 = arith.muli %arg1, %mul3A_18 : i32
    %add3A_20 = arith.constant 0 : i32
    %add3A_21 = arith.addi %mul3A_19, %add3A_20 : i32
    "tpu.region"() ({
      %run_scoped3A_107 = tpu.sem_alloc : memref<!tpu.dma_semaphore, #tpu.memory_space<semaphore_mem>>
      %dma_start3A_108 = arith.constant 0 : i32
      %dma_start3A_109 = tpu.memref_slice %arg12[%add3A_21, %dma_start3A_108] : memref<10240x16xf32, #tpu.memory_space<vmem_shared>> -> memref<128x16xf32, #tpu.memory_space<vmem_shared>>
      %dma_start3A_110 = arith.constant 0 : i32
      %dma_start3A_111 = tpu.memref_slice %arg12[%add3A_21, %dma_start3A_110] : memref<10240x16xf32, #tpu.memory_space<vmem_shared>> -> memref<128x16xf32, #tpu.memory_space<vmem_shared>>
      tpu.enqueue_dma source(%arg10 : memref<128x16xf32, #tpu.memory_space<vmem>>) target(%dma_start3A_111 : memref<128x16xf32, #tpu.memory_space<vmem_shared>>) target_semaphore(%run_scoped3A_107 : memref<!tpu.dma_semaphore, #tpu.memory_space<semaphore_mem>>)
      %dma_wait3A_112 = arith.constant 0 : i32
      %dma_wait3A_113 = tpu.memref_slice %arg12[%add3A_21, %dma_wait3A_112] : memref<10240x16xf32, #tpu.memory_space<vmem_shared>> -> memref<128x16xf32, #tpu.memory_space<vmem_shared>>
      %dma_wait3A_114 = arith.constant 0 : i32
      %dma_wait3A_115 = tpu.memref_slice %arg12[%add3A_21, %dma_wait3A_114] : memref<10240x16xf32, #tpu.memory_space<vmem_shared>> -> memref<128x16xf32, #tpu.memory_space<vmem_shared>>
      tpu.wait_dma2 semaphore(%run_scoped3A_107 : memref<!tpu.dma_semaphore, #tpu.memory_space<semaphore_mem>>) src(%arg10 : memref<128x16xf32, #tpu.memory_space<vmem>>) dst(%dma_wait3A_115 : memref<128x16xf32, #tpu.memory_space<vmem_shared>>)
      tpu.yield
    }) : () -> ()
    %mul3A_22 = arith.constant 640 : i32
    %mul3A_23 = arith.muli %arg1, %mul3A_22 : i32
    %add3A_24 = arith.constant 128 : i32
    %add3A_25 = arith.addi %mul3A_23, %add3A_24 : i32
    %run_scoped3A_26 = arith.constant 0 : i32
    "tpu.region"() ({
      %run_scoped3A_107 = tpu.sem_alloc : memref<!tpu.dma_semaphore, #tpu.memory_space<semaphore_mem>>
      %dma_start3A_108 = arith.constant 0 : i32
      %dma_start3A_109 = arith.constant 0 : i32
      %dma_start3A_110 = tpu.memref_slice %arg9[%run_scoped3A_26, %dma_start3A_108, %dma_start3A_109] : memref<2x128x64xbf16, #tpu.memory_space<vmem>> -> memref<1x128x64xbf16, #tpu.memory_space<vmem>>
      %dma_start3A_111 = tpu.memref_squeeze %dma_start3A_110 : memref<1x128x64xbf16, #tpu.memory_space<vmem>> -> memref<128x64xbf16, #tpu.memory_space<vmem>>
      %dma_start3A_112 = arith.constant 0 : i32
      %dma_start3A_113 = tpu.memref_slice %arg11[%add3A_25, %dma_start3A_112] : memref<10240x64xbf16, #tpu.memory_space<vmem_shared>> -> memref<128x64xbf16, #tpu.memory_space<vmem_shared>>
      %dma_start3A_114 = arith.constant 0 : i32
      %dma_start3A_115 = tpu.memref_slice %arg11[%add3A_25, %dma_start3A_114] : memref<10240x64xbf16, #tpu.memory_space<vmem_shared>> -> memref<128x64xbf16, #tpu.memory_space<vmem_shared>>
      %dma_start3A_116 = arith.constant 0 : i32
      %dma_start3A_117 = arith.constant 0 : i32
      %dma_start3A_118 = tpu.memref_slice %arg9[%run_scoped3A_26, %dma_start3A_116, %dma_start3A_117] : memref<2x128x64xbf16, #tpu.memory_space<vmem>> -> memref<1x128x64xbf16, #tpu.memory_space<vmem>>
      %dma_start3A_119 = tpu.memref_squeeze %dma_start3A_118 : memref<1x128x64xbf16, #tpu.memory_space<vmem>> -> memref<128x64xbf16, #tpu.memory_space<vmem>>
      tpu.enqueue_dma source(%dma_start3A_119 : memref<128x64xbf16, #tpu.memory_space<vmem>>) target(%dma_start3A_115 : memref<128x64xbf16, #tpu.memory_space<vmem_shared>>) target_semaphore(%run_scoped3A_107 : memref<!tpu.dma_semaphore, #tpu.memory_space<semaphore_mem>>)
      %dma_wait3A_120 = arith.constant 0 : i32
      %dma_wait3A_121 = arith.constant 0 : i32
      %dma_wait3A_122 = tpu.memref_slice %arg9[%run_scoped3A_26, %dma_wait3A_120, %dma_wait3A_121] : memref<2x128x64xbf16, #tpu.memory_space<vmem>> -> memref<1x128x64xbf16, #tpu.memory_space<vmem>>
      %dma_wait3A_123 = tpu.memref_squeeze %dma_wait3A_122 : memref<1x128x64xbf16, #tpu.memory_space<vmem>> -> memref<128x64xbf16, #tpu.memory_space<vmem>>
      %dma_wait3A_124 = arith.constant 0 : i32
      %dma_wait3A_125 = tpu.memref_slice %arg11[%add3A_25, %dma_wait3A_124] : memref<10240x64xbf16, #tpu.memory_space<vmem_shared>> -> memref<128x64xbf16, #tpu.memory_space<vmem_shared>>
      %dma_wait3A_126 = arith.constant 0 : i32
      %dma_wait3A_127 = tpu.memref_slice %arg11[%add3A_25, %dma_wait3A_126] : memref<10240x64xbf16, #tpu.memory_space<vmem_shared>> -> memref<128x64xbf16, #tpu.memory_space<vmem_shared>>
      %dma_wait3A_128 = arith.constant 0 : i32
      %dma_wait3A_129 = arith.constant 0 : i32
      %dma_wait3A_130 = tpu.memref_slice %arg9[%run_scoped3A_26, %dma_wait3A_128, %dma_wait3A_129] : memref<2x128x64xbf16, #tpu.memory_space<vmem>> -> memref<1x128x64xbf16, #tpu.memory_space<vmem>>
      %dma_wait3A_131 = tpu.memref_squeeze %dma_wait3A_130 : memref<1x128x64xbf16, #tpu.memory_space<vmem>> -> memref<128x64xbf16, #tpu.memory_space<vmem>>
      tpu.wait_dma2 semaphore(%run_scoped3A_107 : memref<!tpu.dma_semaphore, #tpu.memory_space<semaphore_mem>>) src(%dma_wait3A_131 : memref<128x64xbf16, #tpu.memory_space<vmem>>) dst(%dma_wait3A_127 : memref<128x64xbf16, #tpu.memory_space<vmem_shared>>)
      tpu.yield
    }) : () -> ()
    %mul3A_27 = arith.constant 640 : i32
    %mul3A_28 = arith.muli %arg1, %mul3A_27 : i32
    %add3A_29 = arith.constant 128 : i32
    %add3A_30 = arith.addi %mul3A_28, %add3A_29 : i32
    "tpu.region"() ({
      %run_scoped3A_107 = tpu.sem_alloc : memref<!tpu.dma_semaphore, #tpu.memory_space<semaphore_mem>>
      %dma_start3A_108 = arith.constant 0 : i32
      %dma_start3A_109 = tpu.memref_slice %arg12[%add3A_30, %dma_start3A_108] : memref<10240x16xf32, #tpu.memory_space<vmem_shared>> -> memref<128x16xf32, #tpu.memory_space<vmem_shared>>
      %dma_start3A_110 = arith.constant 0 : i32
      %dma_start3A_111 = tpu.memref_slice %arg12[%add3A_30, %dma_start3A_110] : memref<10240x16xf32, #tpu.memory_space<vmem_shared>> -> memref<128x16xf32, #tpu.memory_space<vmem_shared>>
      tpu.enqueue_dma source(%arg10 : memref<128x16xf32, #tpu.memory_space<vmem>>) target(%dma_start3A_111 : memref<128x16xf32, #tpu.memory_space<vmem_shared>>) target_semaphore(%run_scoped3A_107 : memref<!tpu.dma_semaphore, #tpu.memory_space<semaphore_mem>>)
      %dma_wait3A_112 = arith.constant 0 : i32
      %dma_wait3A_113 = tpu.memref_slice %arg12[%add3A_30, %dma_wait3A_112] : memref<10240x16xf32, #tpu.memory_space<vmem_shared>> -> memref<128x16xf32, #tpu.memory_space<vmem_shared>>
      %dma_wait3A_114 = arith.constant 0 : i32
      %dma_wait3A_115 = tpu.memref_slice %arg12[%add3A_30, %dma_wait3A_114] : memref<10240x16xf32, #tpu.memory_space<vmem_shared>> -> memref<128x16xf32, #tpu.memory_space<vmem_shared>>
      tpu.wait_dma2 semaphore(%run_scoped3A_107 : memref<!tpu.dma_semaphore, #tpu.memory_space<semaphore_mem>>) src(%arg10 : memref<128x16xf32, #tpu.memory_space<vmem>>) dst(%dma_wait3A_115 : memref<128x16xf32, #tpu.memory_space<vmem_shared>>)
      tpu.yield
    }) : () -> ()
    %mul3A_31 = arith.constant 640 : i32
    %mul3A_32 = arith.muli %arg1, %mul3A_31 : i32
    %add3A_33 = arith.constant 256 : i32
    %add3A_34 = arith.addi %mul3A_32, %add3A_33 : i32
    %run_scoped3A_35 = arith.constant 0 : i32
    "tpu.region"() ({
      %run_scoped3A_107 = tpu.sem_alloc : memref<!tpu.dma_semaphore, #tpu.memory_space<semaphore_mem>>
      %dma_start3A_108 = arith.constant 0 : i32
      %dma_start3A_109 = arith.constant 0 : i32
      %dma_start3A_110 = tpu.memref_slice %arg9[%run_scoped3A_35, %dma_start3A_108, %dma_start3A_109] : memref<2x128x64xbf16, #tpu.memory_space<vmem>> -> memref<1x128x64xbf16, #tpu.memory_space<vmem>>
      %dma_start3A_111 = tpu.memref_squeeze %dma_start3A_110 : memref<1x128x64xbf16, #tpu.memory_space<vmem>> -> memref<128x64xbf16, #tpu.memory_space<vmem>>
      %dma_start3A_112 = arith.constant 0 : i32
      %dma_start3A_113 = tpu.memref_slice %arg11[%add3A_34, %dma_start3A_112] : memref<10240x64xbf16, #tpu.memory_space<vmem_shared>> -> memref<128x64xbf16, #tpu.memory_space<vmem_shared>>
      %dma_start3A_114 = arith.constant 0 : i32
      %dma_start3A_115 = tpu.memref_slice %arg11[%add3A_34, %dma_start3A_114] : memref<10240x64xbf16, #tpu.memory_space<vmem_shared>> -> memref<128x64xbf16, #tpu.memory_space<vmem_shared>>
      %dma_start3A_116 = arith.constant 0 : i32
      %dma_start3A_117 = arith.constant 0 : i32
      %dma_start3A_118 = tpu.memref_slice %arg9[%run_scoped3A_35, %dma_start3A_116, %dma_start3A_117] : memref<2x128x64xbf16, #tpu.memory_space<vmem>> -> memref<1x128x64xbf16, #tpu.memory_space<vmem>>
      %dma_start3A_119 = tpu.memref_squeeze %dma_start3A_118 : memref<1x128x64xbf16, #tpu.memory_space<vmem>> -> memref<128x64xbf16, #tpu.memory_space<vmem>>
      tpu.enqueue_dma source(%dma_start3A_119 : memref<128x64xbf16, #tpu.memory_space<vmem>>) target(%dma_start3A_115 : memref<128x64xbf16, #tpu.memory_space<vmem_shared>>) target_semaphore(%run_scoped3A_107 : memref<!tpu.dma_semaphore, #tpu.memory_space<semaphore_mem>>)
      %dma_wait3A_120 = arith.constant 0 : i32
      %dma_wait3A_121 = arith.constant 0 : i32
      %dma_wait3A_122 = tpu.memref_slice %arg9[%run_scoped3A_35, %dma_wait3A_120, %dma_wait3A_121] : memref<2x128x64xbf16, #tpu.memory_space<vmem>> -> memref<1x128x64xbf16, #tpu.memory_space<vmem>>
      %dma_wait3A_123 = tpu.memref_squeeze %dma_wait3A_122 : memref<1x128x64xbf16, #tpu.memory_space<vmem>> -> memref<128x64xbf16, #tpu.memory_space<vmem>>
      %dma_wait3A_124 = arith.constant 0 : i32
      %dma_wait3A_125 = tpu.memref_slice %arg11[%add3A_34, %dma_wait3A_124] : memref<10240x64xbf16, #tpu.memory_space<vmem_shared>> -> memref<128x64xbf16, #tpu.memory_space<vmem_shared>>
      %dma_wait3A_126 = arith.constant 0 : i32
      %dma_wait3A_127 = tpu.memref_slice %arg11[%add3A_34, %dma_wait3A_126] : memref<10240x64xbf16, #tpu.memory_space<vmem_shared>> -> memref<128x64xbf16, #tpu.memory_space<vmem_shared>>
      %dma_wait3A_128 = arith.constant 0 : i32
      %dma_wait3A_129 = arith.constant 0 : i32
      %dma_wait3A_130 = tpu.memref_slice %arg9[%run_scoped3A_35, %dma_wait3A_128, %dma_wait3A_129] : memref<2x128x64xbf16, #tpu.memory_space<vmem>> -> memref<1x128x64xbf16, #tpu.memory_space<vmem>>
      %dma_wait3A_131 = tpu.memref_squeeze %dma_wait3A_130 : memref<1x128x64xbf16, #tpu.memory_space<vmem>> -> memref<128x64xbf16, #tpu.memory_space<vmem>>
      tpu.wait_dma2 semaphore(%run_scoped3A_107 : memref<!tpu.dma_semaphore, #tpu.memory_space<semaphore_mem>>) src(%dma_wait3A_131 : memref<128x64xbf16, #tpu.memory_space<vmem>>) dst(%dma_wait3A_127 : memref<128x64xbf16, #tpu.memory_space<vmem_shared>>)
      tpu.yield
    }) : () -> ()
    %mul3A_36 = arith.constant 640 : i32
    %mul3A_37 = arith.muli %arg1, %mul3A_36 : i32
    %add3A_38 = arith.constant 256 : i32
    %add3A_39 = arith.addi %mul3A_37, %add3A_38 : i32
    "tpu.region"() ({
      %run_scoped3A_107 = tpu.sem_alloc : memref<!tpu.dma_semaphore, #tpu.memory_space<semaphore_mem>>
      %dma_start3A_108 = arith.constant 0 : i32
      %dma_start3A_109 = tpu.memref_slice %arg12[%add3A_39, %dma_start3A_108] : memref<10240x16xf32, #tpu.memory_space<vmem_shared>> -> memref<128x16xf32, #tpu.memory_space<vmem_shared>>
      %dma_start3A_110 = arith.constant 0 : i32
      %dma_start3A_111 = tpu.memref_slice %arg12[%add3A_39, %dma_start3A_110] : memref<10240x16xf32, #tpu.memory_space<vmem_shared>> -> memref<128x16xf32, #tpu.memory_space<vmem_shared>>
      tpu.enqueue_dma source(%arg10 : memref<128x16xf32, #tpu.memory_space<vmem>>) target(%dma_start3A_111 : memref<128x16xf32, #tpu.memory_space<vmem_shared>>) target_semaphore(%run_scoped3A_107 : memref<!tpu.dma_semaphore, #tpu.memory_space<semaphore_mem>>)
      %dma_wait3A_112 = arith.constant 0 : i32
      %dma_wait3A_113 = tpu.memref_slice %arg12[%add3A_39, %dma_wait3A_112] : memref<10240x16xf32, #tpu.memory_space<vmem_shared>> -> memref<128x16xf32, #tpu.memory_space<vmem_shared>>
      %dma_wait3A_114 = arith.constant 0 : i32
      %dma_wait3A_115 = tpu.memref_slice %arg12[%add3A_39, %dma_wait3A_114] : memref<10240x16xf32, #tpu.memory_space<vmem_shared>> -> memref<128x16xf32, #tpu.memory_space<vmem_shared>>
      tpu.wait_dma2 semaphore(%run_scoped3A_107 : memref<!tpu.dma_semaphore, #tpu.memory_space<semaphore_mem>>) src(%arg10 : memref<128x16xf32, #tpu.memory_space<vmem>>) dst(%dma_wait3A_115 : memref<128x16xf32, #tpu.memory_space<vmem_shared>>)
      tpu.yield
    }) : () -> ()
    %mul3A_40 = arith.constant 640 : i32
    %mul3A_41 = arith.muli %arg1, %mul3A_40 : i32
    %add3A_42 = arith.constant 384 : i32
    %add3A_43 = arith.addi %mul3A_41, %add3A_42 : i32
    %run_scoped3A_44 = arith.constant 0 : i32
    "tpu.region"() ({
      %run_scoped3A_107 = tpu.sem_alloc : memref<!tpu.dma_semaphore, #tpu.memory_space<semaphore_mem>>
      %dma_start3A_108 = arith.constant 0 : i32
      %dma_start3A_109 = arith.constant 0 : i32
      %dma_start3A_110 = tpu.memref_slice %arg9[%run_scoped3A_44, %dma_start3A_108, %dma_start3A_109] : memref<2x128x64xbf16, #tpu.memory_space<vmem>> -> memref<1x128x64xbf16, #tpu.memory_space<vmem>>
      %dma_start3A_111 = tpu.memref_squeeze %dma_start3A_110 : memref<1x128x64xbf16, #tpu.memory_space<vmem>> -> memref<128x64xbf16, #tpu.memory_space<vmem>>
      %dma_start3A_112 = arith.constant 0 : i32
      %dma_start3A_113 = tpu.memref_slice %arg11[%add3A_43, %dma_start3A_112] : memref<10240x64xbf16, #tpu.memory_space<vmem_shared>> -> memref<128x64xbf16, #tpu.memory_space<vmem_shared>>
      %dma_start3A_114 = arith.constant 0 : i32
      %dma_start3A_115 = tpu.memref_slice %arg11[%add3A_43, %dma_start3A_114] : memref<10240x64xbf16, #tpu.memory_space<vmem_shared>> -> memref<128x64xbf16, #tpu.memory_space<vmem_shared>>
      %dma_start3A_116 = arith.constant 0 : i32
      %dma_start3A_117 = arith.constant 0 : i32
      %dma_start3A_118 = tpu.memref_slice %arg9[%run_scoped3A_44, %dma_start3A_116, %dma_start3A_117] : memref<2x128x64xbf16, #tpu.memory_space<vmem>> -> memref<1x128x64xbf16, #tpu.memory_space<vmem>>
      %dma_start3A_119 = tpu.memref_squeeze %dma_start3A_118 : memref<1x128x64xbf16, #tpu.memory_space<vmem>> -> memref<128x64xbf16, #tpu.memory_space<vmem>>
      tpu.enqueue_dma source(%dma_start3A_119 : memref<128x64xbf16, #tpu.memory_space<vmem>>) target(%dma_start3A_115 : memref<128x64xbf16, #tpu.memory_space<vmem_shared>>) target_semaphore(%run_scoped3A_107 : memref<!tpu.dma_semaphore, #tpu.memory_space<semaphore_mem>>)
      %dma_wait3A_120 = arith.constant 0 : i32
      %dma_wait3A_121 = arith.constant 0 : i32
      %dma_wait3A_122 = tpu.memref_slice %arg9[%run_scoped3A_44, %dma_wait3A_120, %dma_wait3A_121] : memref<2x128x64xbf16, #tpu.memory_space<vmem>> -> memref<1x128x64xbf16, #tpu.memory_space<vmem>>
      %dma_wait3A_123 = tpu.memref_squeeze %dma_wait3A_122 : memref<1x128x64xbf16, #tpu.memory_space<vmem>> -> memref<128x64xbf16, #tpu.memory_space<vmem>>
      %dma_wait3A_124 = arith.constant 0 : i32
      %dma_wait3A_125 = tpu.memref_slice %arg11[%add3A_43, %dma_wait3A_124] : memref<10240x64xbf16, #tpu.memory_space<vmem_shared>> -> memref<128x64xbf16, #tpu.memory_space<vmem_shared>>
      %dma_wait3A_126 = arith.constant 0 : i32
      %dma_wait3A_127 = tpu.memref_slice %arg11[%add3A_43, %dma_wait3A_126] : memref<10240x64xbf16, #tpu.memory_space<vmem_shared>> -> memref<128x64xbf16, #tpu.memory_space<vmem_shared>>
      %dma_wait3A_128 = arith.constant 0 : i32
      %dma_wait3A_129 = arith.constant 0 : i32
      %dma_wait3A_130 = tpu.memref_slice %arg9[%run_scoped3A_44, %dma_wait3A_128, %dma_wait3A_129] : memref<2x128x64xbf16, #tpu.memory_space<vmem>> -> memref<1x128x64xbf16, #tpu.memory_space<vmem>>
      %dma_wait3A_131 = tpu.memref_squeeze %dma_wait3A_130 : memref<1x128x64xbf16, #tpu.memory_space<vmem>> -> memref<128x64xbf16, #tpu.memory_space<vmem>>
      tpu.wait_dma2 semaphore(%run_scoped3A_107 : memref<!tpu.dma_semaphore, #tpu.memory_space<semaphore_mem>>) src(%dma_wait3A_131 : memref<128x64xbf16, #tpu.memory_space<vmem>>) dst(%dma_wait3A_127 : memref<128x64xbf16, #tpu.memory_space<vmem_shared>>)
      tpu.yield
    }) : () -> ()
    %mul3A_45 = arith.constant 640 : i32
    %mul3A_46 = arith.muli %arg1, %mul3A_45 : i32
    %add3A_47 = arith.constant 384 : i32
    %add3A_48 = arith.addi %mul3A_46, %add3A_47 : i32
    "tpu.region"() ({
      %run_scoped3A_107 = tpu.sem_alloc : memref<!tpu.dma_semaphore, #tpu.memory_space<semaphore_mem>>
      %dma_start3A_108 = arith.constant 0 : i32
      %dma_start3A_109 = tpu.memref_slice %arg12[%add3A_48, %dma_start3A_108] : memref<10240x16xf32, #tpu.memory_space<vmem_shared>> -> memref<128x16xf32, #tpu.memory_space<vmem_shared>>
      %dma_start3A_110 = arith.constant 0 : i32
      %dma_start3A_111 = tpu.memref_slice %arg12[%add3A_48, %dma_start3A_110] : memref<10240x16xf32, #tpu.memory_space<vmem_shared>> -> memref<128x16xf32, #tpu.memory_space<vmem_shared>>
      tpu.enqueue_dma source(%arg10 : memref<128x16xf32, #tpu.memory_space<vmem>>) target(%dma_start3A_111 : memref<128x16xf32, #tpu.memory_space<vmem_shared>>) target_semaphore(%run_scoped3A_107 : memref<!tpu.dma_semaphore, #tpu.memory_space<semaphore_mem>>)
      %dma_wait3A_112 = arith.constant 0 : i32
      %dma_wait3A_113 = tpu.memref_slice %arg12[%add3A_48, %dma_wait3A_112] : memref<10240x16xf32, #tpu.memory_space<vmem_shared>> -> memref<128x16xf32, #tpu.memory_space<vmem_shared>>
      %dma_wait3A_114 = arith.constant 0 : i32
      %dma_wait3A_115 = tpu.memref_slice %arg12[%add3A_48, %dma_wait3A_114] : memref<10240x16xf32, #tpu.memory_space<vmem_shared>> -> memref<128x16xf32, #tpu.memory_space<vmem_shared>>
      tpu.wait_dma2 semaphore(%run_scoped3A_107 : memref<!tpu.dma_semaphore, #tpu.memory_space<semaphore_mem>>) src(%arg10 : memref<128x16xf32, #tpu.memory_space<vmem>>) dst(%dma_wait3A_115 : memref<128x16xf32, #tpu.memory_space<vmem_shared>>)
      tpu.yield
    }) : () -> ()
    %mul3A_49 = arith.constant 640 : i32
    %mul3A_50 = arith.muli %arg1, %mul3A_49 : i32
    %add3A_51 = arith.constant 512 : i32
    %add3A_52 = arith.addi %mul3A_50, %add3A_51 : i32
    %run_scoped3A_53 = arith.constant 0 : i32
    "tpu.region"() ({
      %run_scoped3A_107 = tpu.sem_alloc : memref<!tpu.dma_semaphore, #tpu.memory_space<semaphore_mem>>
      %dma_start3A_108 = arith.constant 0 : i32
      %dma_start3A_109 = arith.constant 0 : i32
      %dma_start3A_110 = tpu.memref_slice %arg9[%run_scoped3A_53, %dma_start3A_108, %dma_start3A_109] : memref<2x128x64xbf16, #tpu.memory_space<vmem>> -> memref<1x128x64xbf16, #tpu.memory_space<vmem>>
      %dma_start3A_111 = tpu.memref_squeeze %dma_start3A_110 : memref<1x128x64xbf16, #tpu.memory_space<vmem>> -> memref<128x64xbf16, #tpu.memory_space<vmem>>
      %dma_start3A_112 = arith.constant 0 : i32
      %dma_start3A_113 = tpu.memref_slice %arg11[%add3A_52, %dma_start3A_112] : memref<10240x64xbf16, #tpu.memory_space<vmem_shared>> -> memref<128x64xbf16, #tpu.memory_space<vmem_shared>>
      %dma_start3A_114 = arith.constant 0 : i32
      %dma_start3A_115 = tpu.memref_slice %arg11[%add3A_52, %dma_start3A_114] : memref<10240x64xbf16, #tpu.memory_space<vmem_shared>> -> memref<128x64xbf16, #tpu.memory_space<vmem_shared>>
      %dma_start3A_116 = arith.constant 0 : i32
      %dma_start3A_117 = arith.constant 0 : i32
      %dma_start3A_118 = tpu.memref_slice %arg9[%run_scoped3A_53, %dma_start3A_116, %dma_start3A_117] : memref<2x128x64xbf16, #tpu.memory_space<vmem>> -> memref<1x128x64xbf16, #tpu.memory_space<vmem>>
      %dma_start3A_119 = tpu.memref_squeeze %dma_start3A_118 : memref<1x128x64xbf16, #tpu.memory_space<vmem>> -> memref<128x64xbf16, #tpu.memory_space<vmem>>
      tpu.enqueue_dma source(%dma_start3A_119 : memref<128x64xbf16, #tpu.memory_space<vmem>>) target(%dma_start3A_115 : memref<128x64xbf16, #tpu.memory_space<vmem_shared>>) target_semaphore(%run_scoped3A_107 : memref<!tpu.dma_semaphore, #tpu.memory_space<semaphore_mem>>)
      %dma_wait3A_120 = arith.constant 0 : i32
      %dma_wait3A_121 = arith.constant 0 : i32
      %dma_wait3A_122 = tpu.memref_slice %arg9[%run_scoped3A_53, %dma_wait3A_120, %dma_wait3A_121] : memref<2x128x64xbf16, #tpu.memory_space<vmem>> -> memref<1x128x64xbf16, #tpu.memory_space<vmem>>
      %dma_wait3A_123 = tpu.memref_squeeze %dma_wait3A_122 : memref<1x128x64xbf16, #tpu.memory_space<vmem>> -> memref<128x64xbf16, #tpu.memory_space<vmem>>
      %dma_wait3A_124 = arith.constant 0 : i32
      %dma_wait3A_125 = tpu.memref_slice %arg11[%add3A_52, %dma_wait3A_124] : memref<10240x64xbf16, #tpu.memory_space<vmem_shared>> -> memref<128x64xbf16, #tpu.memory_space<vmem_shared>>
      %dma_wait3A_126 = arith.constant 0 : i32
      %dma_wait3A_127 = tpu.memref_slice %arg11[%add3A_52, %dma_wait3A_126] : memref<10240x64xbf16, #tpu.memory_space<vmem_shared>> -> memref<128x64xbf16, #tpu.memory_space<vmem_shared>>
      %dma_wait3A_128 = arith.constant 0 : i32
      %dma_wait3A_129 = arith.constant 0 : i32
      %dma_wait3A_130 = tpu.memref_slice %arg9[%run_scoped3A_53, %dma_wait3A_128, %dma_wait3A_129] : memref<2x128x64xbf16, #tpu.memory_space<vmem>> -> memref<1x128x64xbf16, #tpu.memory_space<vmem>>
      %dma_wait3A_131 = tpu.memref_squeeze %dma_wait3A_130 : memref<1x128x64xbf16, #tpu.memory_space<vmem>> -> memref<128x64xbf16, #tpu.memory_space<vmem>>
      tpu.wait_dma2 semaphore(%run_scoped3A_107 : memref<!tpu.dma_semaphore, #tpu.memory_space<semaphore_mem>>) src(%dma_wait3A_131 : memref<128x64xbf16, #tpu.memory_space<vmem>>) dst(%dma_wait3A_127 : memref<128x64xbf16, #tpu.memory_space<vmem_shared>>)
      tpu.yield
    }) : () -> ()
    %mul3A_54 = arith.constant 640 : i32
    %mul3A_55 = arith.muli %arg1, %mul3A_54 : i32
    %add3A_56 = arith.constant 512 : i32
    %add3A_57 = arith.addi %mul3A_55, %add3A_56 : i32
    "tpu.region"() ({
      %run_scoped3A_107 = tpu.sem_alloc : memref<!tpu.dma_semaphore, #tpu.memory_space<semaphore_mem>>
      %dma_start3A_108 = arith.constant 0 : i32
      %dma_start3A_109 = tpu.memref_slice %arg12[%add3A_57, %dma_start3A_108] : memref<10240x16xf32, #tpu.memory_space<vmem_shared>> -> memref<128x16xf32, #tpu.memory_space<vmem_shared>>
      %dma_start3A_110 = arith.constant 0 : i32
      %dma_start3A_111 = tpu.memref_slice %arg12[%add3A_57, %dma_start3A_110] : memref<10240x16xf32, #tpu.memory_space<vmem_shared>> -> memref<128x16xf32, #tpu.memory_space<vmem_shared>>
      tpu.enqueue_dma source(%arg10 : memref<128x16xf32, #tpu.memory_space<vmem>>) target(%dma_start3A_111 : memref<128x16xf32, #tpu.memory_space<vmem_shared>>) target_semaphore(%run_scoped3A_107 : memref<!tpu.dma_semaphore, #tpu.memory_space<semaphore_mem>>)
      %dma_wait3A_112 = arith.constant 0 : i32
      %dma_wait3A_113 = tpu.memref_slice %arg12[%add3A_57, %dma_wait3A_112] : memref<10240x16xf32, #tpu.memory_space<vmem_shared>> -> memref<128x16xf32, #tpu.memory_space<vmem_shared>>
      %dma_wait3A_114 = arith.constant 0 : i32
      %dma_wait3A_115 = tpu.memref_slice %arg12[%add3A_57, %dma_wait3A_114] : memref<10240x16xf32, #tpu.memory_space<vmem_shared>> -> memref<128x16xf32, #tpu.memory_space<vmem_shared>>
      tpu.wait_dma2 semaphore(%run_scoped3A_107 : memref<!tpu.dma_semaphore, #tpu.memory_space<semaphore_mem>>) src(%arg10 : memref<128x16xf32, #tpu.memory_space<vmem>>) dst(%dma_wait3A_115 : memref<128x16xf32, #tpu.memory_space<vmem_shared>>)
      tpu.yield
    }) : () -> ()
    %scan3A_58 = arith.constant 0 : i32
    %scan3A_59 = arith.constant 0 : i32
    %scan3A_60 = arith.constant 128 : i32
    %scan3A_61 = arith.addi %scan3A_59, %scan3A_60 : i32
    %scan3A_62 = arith.constant 1 : i32
    scf.for %scan3A_107 = %scan3A_59 to %scan3A_61 step %scan3A_62  : i32 {
      %swap3A = arith.index_cast %scan3A_107 : i32 to index
      %swap3A_108 = arith.constant 0 : index
      %swap3A_109 = tpu.vector_load %arg10[%swap3A, %swap3A_108] {strides = array<i32>} : memref<128x16xf32, #tpu.memory_space<vmem>>, vector<1x16xf32>,
      %swap3A_110 = vector.shape_cast %swap3A_109 : vector<1x16xf32> to vector<16xf32>
      %swap3A_111 = vector.shape_cast %broadcast_in_dim3A_2 : vector<16xf32> to vector<1x16xf32>
      tpu.vector_store %arg10[%swap3A, %swap3A_108], %swap3A_111 {strides = array<i32>} : memref<128x16xf32, #tpu.memory_space<vmem>>, vector<1x16xf32>,
    }
    %scan3A_63 = arith.constant 128 : i32
    %barrier3A = arith.constant 0 : index
    tpu.barrier barrier_id(%barrier3A)
    %dma_start3A = arith.constant 0 : i32
    %dma_start3A_64 = arith.constant 0 : i32
    %dma_start3A_65 = arith.constant 0 : i32
    %dma_start3A_66 = arith.constant 0 : i32
    %dma_start3A_67 = tpu.memref_slice %arg9[%dma_start3A_64, %dma_start3A_65, %dma_start3A_66] : memref<2x128x64xbf16, #tpu.memory_space<vmem>> -> memref<1x128x64xbf16, #tpu.memory_space<vmem>>
    %dma_start3A_68 = tpu.memref_squeeze %dma_start3A_67 : memref<1x128x64xbf16, #tpu.memory_space<vmem>> -> memref<128x64xbf16, #tpu.memory_space<vmem>>
    %dma_start3A_69 = arith.constant 0 : i32
    %dma_start3A_70 = tpu.memref_slice %arg7[%dma_start3A, %dma_start3A_69] : memref<158x128xi32, #tpu.memory_space<vmem>> -> memref<1x128xi32, #tpu.memory_space<vmem>>
    %dma_start3A_71 = tpu.memref_squeeze %dma_start3A_70 : memref<1x128xi32, #tpu.memory_space<vmem>> -> memref<128xi32, #tpu.memory_space<vmem>>
    %dma_start3A_72 = arith.constant 0 : i32
    %dma_start3A_73 = arith.constant 0 : i32
    %dma_start3A_74 = tpu.memref_slice %arg2[%dma_start3A_72, %dma_start3A_73] : memref<20000x64xbf16, #tpu.memory_space<hbm>> -> memref<20000x64xbf16, #tpu.memory_space<hbm>>
    tpu.enqueue_indirect_dma source(%dma_start3A_74 : memref<20000x64xbf16, #tpu.memory_space<hbm>>) target(%dma_start3A_68 : memref<128x64xbf16, #tpu.memory_space<vmem>>) offsets(%dma_start3A_71 : memref<128xi32, #tpu.memory_space<vmem>>) semaphore(%arg13 : memref<!tpu.dma_semaphore, #tpu.memory_space<semaphore_mem>>)
    %dma_start3A_75 = arith.constant 1 : i32
    %dma_start3A_76 = arith.constant 1 : i32
    %dma_start3A_77 = arith.constant 0 : i32
    %dma_start3A_78 = arith.constant 0 : i32
    %dma_start3A_79 = tpu.memref_slice %arg9[%dma_start3A_76, %dma_start3A_77, %dma_start3A_78] : memref<2x128x64xbf16, #tpu.memory_space<vmem>> -> memref<1x128x64xbf16, #tpu.memory_space<vmem>>
    %dma_start3A_80 = tpu.memref_squeeze %dma_start3A_79 : memref<1x128x64xbf16, #tpu.memory_space<vmem>> -> memref<128x64xbf16, #tpu.memory_space<vmem>>
    %dma_start3A_81 = arith.constant 0 : i32
    %dma_start3A_82 = tpu.memref_slice %arg7[%dma_start3A_75, %dma_start3A_81] : memref<158x128xi32, #tpu.memory_space<vmem>> -> memref<1x128xi32, #tpu.memory_space<vmem>>
    %dma_start3A_83 = tpu.memref_squeeze %dma_start3A_82 : memref<1x128xi32, #tpu.memory_space<vmem>> -> memref<128xi32, #tpu.memory_space<vmem>>
    %dma_start3A_84 = arith.constant 0 : i32
    %dma_start3A_85 = arith.constant 0 : i32
    %dma_start3A_86 = tpu.memref_slice %arg2[%dma_start3A_84, %dma_start3A_85] : memref<20000x64xbf16, #tpu.memory_space<hbm>> -> memref<20000x64xbf16, #tpu.memory_space<hbm>>
    tpu.enqueue_indirect_dma source(%dma_start3A_86 : memref<20000x64xbf16, #tpu.memory_space<hbm>>) target(%dma_start3A_80 : memref<128x64xbf16, #tpu.memory_space<vmem>>) offsets(%dma_start3A_83 : memref<128xi32, #tpu.memory_space<vmem>>) semaphore(%arg14 : memref<!tpu.dma_semaphore, #tpu.memory_space<semaphore_mem>>)
    %scan3A_87 = arith.constant 0 : i32
    %scan3A_88 = arith.constant 79 : i32
    %scan3A_89 = arith.addi %scan3A_87, %scan3A_88 : i32
    %scan3A_90 = arith.constant 1 : i32
    scf.for %scan3A_107 = %scan3A_87 to %scan3A_89 step %scan3A_90  : i32 {
      %mul3A_108 = arith.constant 2 : i32
      %mul3A_109 = arith.muli %scan3A_107, %mul3A_108 : i32
      %add3A_110 = arith.constant 0 : i32
      %add3A_111 = arith.addi %add3A_110, %mul3A_109 : i32
      %add3A_112 = arith.constant 0 : i32
      %add3A_113 = arith.addi %add3A_111, %add3A_112 : i32
      %dma_wait3A_114 = arith.constant 0 : i32
      %dma_wait3A_115 = arith.constant 0 : i32
      %dma_wait3A_116 = arith.constant 0 : i32
      %dma_wait3A_117 = tpu.memref_slice %arg9[%dma_wait3A_114, %dma_wait3A_115, %dma_wait3A_116] : memref<2x128x64xbf16, #tpu.memory_space<vmem>> -> memref<1x128x64xbf16, #tpu.memory_space<vmem>>
      %dma_wait3A_118 = tpu.memref_squeeze %dma_wait3A_117 : memref<1x128x64xbf16, #tpu.memory_space<vmem>> -> memref<128x64xbf16, #tpu.memory_space<vmem>>
      %dma_wait3A_119 = arith.constant 0 : i32
      %dma_wait3A_120 = tpu.memref_slice %arg7[%add3A_113, %dma_wait3A_119] : memref<158x128xi32, #tpu.memory_space<vmem>> -> memref<1x128xi32, #tpu.memory_space<vmem>>
      %dma_wait3A_121 = tpu.memref_squeeze %dma_wait3A_120 : memref<1x128xi32, #tpu.memory_space<vmem>> -> memref<128xi32, #tpu.memory_space<vmem>>
      %dma_wait3A_122 = arith.constant 0 : i32
      %dma_wait3A_123 = arith.constant 0 : i32
      %dma_wait3A_124 = tpu.memref_slice %arg2[%dma_wait3A_122, %dma_wait3A_123] : memref<20000x64xbf16, #tpu.memory_space<hbm>> -> memref<20000x64xbf16, #tpu.memory_space<hbm>>
      tpu.wait_indirect_dma semaphore(%arg13 : memref<!tpu.dma_semaphore, #tpu.memory_space<semaphore_mem>>) src(%dma_wait3A_124 : memref<20000x64xbf16, #tpu.memory_space<hbm>>) dst(%dma_wait3A_118 : memref<128x64xbf16, #tpu.memory_space<vmem>>)
      %dma_start3A_125 = arith.constant 0 : i32
      %dma_start3A_126 = arith.constant 0 : i32
      %dma_start3A_127 = arith.constant 0 : i32
      %dma_start3A_128 = tpu.memref_slice %arg9[%dma_start3A_125, %dma_start3A_126, %dma_start3A_127] : memref<2x128x64xbf16, #tpu.memory_space<vmem>> -> memref<1x128x64xbf16, #tpu.memory_space<vmem>>
      %dma_start3A_129 = tpu.memref_squeeze %dma_start3A_128 : memref<1x128x64xbf16, #tpu.memory_space<vmem>> -> memref<128x64xbf16, #tpu.memory_space<vmem>>
      %dma_start3A_130 = arith.constant 0 : i32
      %dma_start3A_131 = tpu.memref_slice %arg8[%add3A_113, %dma_start3A_130] : memref<158x128xi32, #tpu.memory_space<vmem>> -> memref<1x128xi32, #tpu.memory_space<vmem>>
      %dma_start3A_132 = tpu.memref_squeeze %dma_start3A_131 : memref<1x128xi32, #tpu.memory_space<vmem>> -> memref<128xi32, #tpu.memory_space<vmem>>
      %dma_start3A_133 = arith.constant 0 : i32
      %dma_start3A_134 = arith.constant 0 : i32
      %dma_start3A_135 = tpu.memref_slice %arg11[%dma_start3A_133, %dma_start3A_134] : memref<10240x64xbf16, #tpu.memory_space<vmem_shared>> -> memref<10240x64xbf16, #tpu.memory_space<vmem_shared>>
      tpu.enqueue_indirect_dma source(%dma_start3A_129 : memref<128x64xbf16, #tpu.memory_space<vmem>>) target(%dma_start3A_135 : memref<10240x64xbf16, #tpu.memory_space<vmem_shared>>) offsets(%dma_start3A_132 : memref<128xi32, #tpu.memory_space<vmem>>) semaphore(%arg15 : memref<!tpu.dma_semaphore, #tpu.memory_space<semaphore_mem>>) {add = true}
      %eq3A = arith.constant 0 : i32
      %eq3A_136 = arith.cmpi eq, %arg0, %eq3A : i32
      %convert_element_type3A = arith.extui %eq3A_136 : i1 to i32
      %cond3A = arith.constant 0 : i32
      %cond3A_137 = arith.cmpi ne, %convert_element_type3A, %cond3A : i32
      scf.if %cond3A_137 {
        %gt3A = arith.constant 0 : i32
        %gt3A_206 = arith.cmpi sgt, %add3A_111, %gt3A : i32
        %convert_element_type3A_207 = arith.extui %gt3A_206 : i1 to i32
        %cond3A_208 = arith.constant 0 : i32
        %cond3A_209 = arith.cmpi ne, %convert_element_type3A_207, %cond3A_208 : i32
        scf.if %cond3A_209 {
          %dma_wait3A_216 = arith.constant 0 : i32
          %dma_wait3A_217 = tpu.memref_slice %arg8[%add3A_113, %dma_wait3A_216] : memref<158x128xi32, #tpu.memory_space<vmem>> -> memref<1x128xi32, #tpu.memory_space<vmem>>
          %dma_wait3A_218 = tpu.memref_squeeze %dma_wait3A_217 : memref<1x128xi32, #tpu.memory_space<vmem>> -> memref<128xi32, #tpu.memory_space<vmem>>
          %dma_wait3A_219 = arith.constant 0 : i32
          %dma_wait3A_220 = arith.constant 0 : i32
          %dma_wait3A_221 = tpu.memref_slice %arg12[%dma_wait3A_219, %dma_wait3A_220] : memref<10240x16xf32, #tpu.memory_space<vmem_shared>> -> memref<10240x16xf32, #tpu.memory_space<vmem_shared>>
          tpu.wait_indirect_dma semaphore(%arg17 : memref<!tpu.dma_semaphore, #tpu.memory_space<semaphore_mem>>) src(%arg10 : memref<128x16xf32, #tpu.memory_space<vmem>>) dst(%dma_wait3A_221 : memref<10240x16xf32, #tpu.memory_space<vmem_shared>>)
        } else {
        }
        %dma_start3A_210 = arith.constant 0 : i32
        %dma_start3A_211 = tpu.memref_slice %arg8[%add3A_113, %dma_start3A_210] : memref<158x128xi32, #tpu.memory_space<vmem>> -> memref<1x128xi32, #tpu.memory_space<vmem>>
        %dma_start3A_212 = tpu.memref_squeeze %dma_start3A_211 : memref<1x128xi32, #tpu.memory_space<vmem>> -> memref<128xi32, #tpu.memory_space<vmem>>
        %dma_start3A_213 = arith.constant 0 : i32
        %dma_start3A_214 = arith.constant 0 : i32
        %dma_start3A_215 = tpu.memref_slice %arg12[%dma_start3A_213, %dma_start3A_214] : memref<10240x16xf32, #tpu.memory_space<vmem_shared>> -> memref<10240x16xf32, #tpu.memory_space<vmem_shared>>
        tpu.enqueue_indirect_dma source(%arg10 : memref<128x16xf32, #tpu.memory_space<vmem>>) target(%dma_start3A_215 : memref<10240x16xf32, #tpu.memory_space<vmem_shared>>) offsets(%dma_start3A_212 : memref<128xi32, #tpu.memory_space<vmem>>) semaphore(%arg17 : memref<!tpu.dma_semaphore, #tpu.memory_space<semaphore_mem>>) {add = true}
      } else {
      }
      %add3A_138 = arith.constant 1 : i32
      %add3A_139 = arith.addi %add3A_111, %add3A_138 : i32
      %dma_wait3A_140 = arith.constant 1 : i32
      %dma_wait3A_141 = arith.constant 0 : i32
      %dma_wait3A_142 = arith.constant 0 : i32
      %dma_wait3A_143 = tpu.memref_slice %arg9[%dma_wait3A_140, %dma_wait3A_141, %dma_wait3A_142] : memref<2x128x64xbf16, #tpu.memory_space<vmem>> -> memref<1x128x64xbf16, #tpu.memory_space<vmem>>
      %dma_wait3A_144 = tpu.memref_squeeze %dma_wait3A_143 : memref<1x128x64xbf16, #tpu.memory_space<vmem>> -> memref<128x64xbf16, #tpu.memory_space<vmem>>
      %dma_wait3A_145 = arith.constant 0 : i32
      %dma_wait3A_146 = tpu.memref_slice %arg7[%add3A_139, %dma_wait3A_145] : memref<158x128xi32, #tpu.memory_space<vmem>> -> memref<1x128xi32, #tpu.memory_space<vmem>>
      %dma_wait3A_147 = tpu.memref_squeeze %dma_wait3A_146 : memref<1x128xi32, #tpu.memory_space<vmem>> -> memref<128xi32, #tpu.memory_space<vmem>>
      %dma_wait3A_148 = arith.constant 0 : i32
      %dma_wait3A_149 = arith.constant 0 : i32
      %dma_wait3A_150 = tpu.memref_slice %arg2[%dma_wait3A_148, %dma_wait3A_149] : memref<20000x64xbf16, #tpu.memory_space<hbm>> -> memref<20000x64xbf16, #tpu.memory_space<hbm>>
      tpu.wait_indirect_dma semaphore(%arg14 : memref<!tpu.dma_semaphore, #tpu.memory_space<semaphore_mem>>) src(%dma_wait3A_150 : memref<20000x64xbf16, #tpu.memory_space<hbm>>) dst(%dma_wait3A_144 : memref<128x64xbf16, #tpu.memory_space<vmem>>)
      %dma_start3A_151 = arith.constant 1 : i32
      %dma_start3A_152 = arith.constant 0 : i32
      %dma_start3A_153 = arith.constant 0 : i32
      %dma_start3A_154 = tpu.memref_slice %arg9[%dma_start3A_151, %dma_start3A_152, %dma_start3A_153] : memref<2x128x64xbf16, #tpu.memory_space<vmem>> -> memref<1x128x64xbf16, #tpu.memory_space<vmem>>
      %dma_start3A_155 = tpu.memref_squeeze %dma_start3A_154 : memref<1x128x64xbf16, #tpu.memory_space<vmem>> -> memref<128x64xbf16, #tpu.memory_space<vmem>>
      %dma_start3A_156 = arith.constant 0 : i32
      %dma_start3A_157 = tpu.memref_slice %arg8[%add3A_139, %dma_start3A_156] : memref<158x128xi32, #tpu.memory_space<vmem>> -> memref<1x128xi32, #tpu.memory_space<vmem>>
      %dma_start3A_158 = tpu.memref_squeeze %dma_start3A_157 : memref<1x128xi32, #tpu.memory_space<vmem>> -> memref<128xi32, #tpu.memory_space<vmem>>
      %dma_start3A_159 = arith.constant 0 : i32
      %dma_start3A_160 = arith.constant 0 : i32
      %dma_start3A_161 = tpu.memref_slice %arg11[%dma_start3A_159, %dma_start3A_160] : memref<10240x64xbf16, #tpu.memory_space<vmem_shared>> -> memref<10240x64xbf16, #tpu.memory_space<vmem_shared>>
      tpu.enqueue_indirect_dma source(%dma_start3A_155 : memref<128x64xbf16, #tpu.memory_space<vmem>>) target(%dma_start3A_161 : memref<10240x64xbf16, #tpu.memory_space<vmem_shared>>) offsets(%dma_start3A_158 : memref<128xi32, #tpu.memory_space<vmem>>) semaphore(%arg16 : memref<!tpu.dma_semaphore, #tpu.memory_space<semaphore_mem>>) {add = true}
      %eq3A_162 = arith.constant 1 : i32
      %eq3A_163 = arith.cmpi eq, %arg0, %eq3A_162 : i32
      %convert_element_type3A_164 = arith.extui %eq3A_163 : i1 to i32
      %cond3A_165 = arith.constant 0 : i32
      %cond3A_166 = arith.cmpi ne, %convert_element_type3A_164, %cond3A_165 : i32
      scf.if %cond3A_166 {
        %gt3A = arith.constant 0 : i32
        %gt3A_206 = arith.cmpi sgt, %add3A_111, %gt3A : i32
        %convert_element_type3A_207 = arith.extui %gt3A_206 : i1 to i32
        %cond3A_208 = arith.constant 0 : i32
        %cond3A_209 = arith.cmpi ne, %convert_element_type3A_207, %cond3A_208 : i32
        scf.if %cond3A_209 {
          %dma_wait3A_216 = arith.constant 0 : i32
          %dma_wait3A_217 = tpu.memref_slice %arg8[%add3A_139, %dma_wait3A_216] : memref<158x128xi32, #tpu.memory_space<vmem>> -> memref<1x128xi32, #tpu.memory_space<vmem>>
          %dma_wait3A_218 = tpu.memref_squeeze %dma_wait3A_217 : memref<1x128xi32, #tpu.memory_space<vmem>> -> memref<128xi32, #tpu.memory_space<vmem>>
          %dma_wait3A_219 = arith.constant 0 : i32
          %dma_wait3A_220 = arith.constant 0 : i32
          %dma_wait3A_221 = tpu.memref_slice %arg12[%dma_wait3A_219, %dma_wait3A_220] : memref<10240x16xf32, #tpu.memory_space<vmem_shared>> -> memref<10240x16xf32, #tpu.memory_space<vmem_shared>>
          tpu.wait_indirect_dma semaphore(%arg17 : memref<!tpu.dma_semaphore, #tpu.memory_space<semaphore_mem>>) src(%arg10 : memref<128x16xf32, #tpu.memory_space<vmem>>) dst(%dma_wait3A_221 : memref<10240x16xf32, #tpu.memory_space<vmem_shared>>)
        } else {
        }
        %dma_start3A_210 = arith.constant 0 : i32
        %dma_start3A_211 = tpu.memref_slice %arg8[%add3A_139, %dma_start3A_210] : memref<158x128xi32, #tpu.memory_space<vmem>> -> memref<1x128xi32, #tpu.memory_space<vmem>>
        %dma_start3A_212 = tpu.memref_squeeze %dma_start3A_211 : memref<1x128xi32, #tpu.memory_space<vmem>> -> memref<128xi32, #tpu.memory_space<vmem>>
        %dma_start3A_213 = arith.constant 0 : i32
        %dma_start3A_214 = arith.constant 0 : i32
        %dma_start3A_215 = tpu.memref_slice %arg12[%dma_start3A_213, %dma_start3A_214] : memref<10240x16xf32, #tpu.memory_space<vmem_shared>> -> memref<10240x16xf32, #tpu.memory_space<vmem_shared>>
        tpu.enqueue_indirect_dma source(%arg10 : memref<128x16xf32, #tpu.memory_space<vmem>>) target(%dma_start3A_215 : memref<10240x16xf32, #tpu.memory_space<vmem_shared>>) offsets(%dma_start3A_212 : memref<128xi32, #tpu.memory_space<vmem>>) semaphore(%arg17 : memref<!tpu.dma_semaphore, #tpu.memory_space<semaphore_mem>>) {add = true}
      } else {
      }
      %add3A_167 = arith.constant 0 : i32
      %add3A_168 = arith.addi %add3A_111, %add3A_167 : i32
      %dma_wait3A_169 = arith.constant 0 : i32
      %dma_wait3A_170 = arith.constant 0 : i32
      %dma_wait3A_171 = arith.constant 0 : i32
      %dma_wait3A_172 = tpu.memref_slice %arg9[%dma_wait3A_169, %dma_wait3A_170, %dma_wait3A_171] : memref<2x128x64xbf16, #tpu.memory_space<vmem>> -> memref<1x128x64xbf16, #tpu.memory_space<vmem>>
      %dma_wait3A_173 = tpu.memref_squeeze %dma_wait3A_172 : memref<1x128x64xbf16, #tpu.memory_space<vmem>> -> memref<128x64xbf16, #tpu.memory_space<vmem>>
      %dma_wait3A_174 = arith.constant 0 : i32
      %dma_wait3A_175 = tpu.memref_slice %arg8[%add3A_168, %dma_wait3A_174] : memref<158x128xi32, #tpu.memory_space<vmem>> -> memref<1x128xi32, #tpu.memory_space<vmem>>
      %dma_wait3A_176 = tpu.memref_squeeze %dma_wait3A_175 : memref<1x128xi32, #tpu.memory_space<vmem>> -> memref<128xi32, #tpu.memory_space<vmem>>
      %dma_wait3A_177 = arith.constant 0 : i32
      %dma_wait3A_178 = arith.constant 0 : i32
      %dma_wait3A_179 = tpu.memref_slice %arg11[%dma_wait3A_177, %dma_wait3A_178] : memref<10240x64xbf16, #tpu.memory_space<vmem_shared>> -> memref<10240x64xbf16, #tpu.memory_space<vmem_shared>>
      tpu.wait_indirect_dma semaphore(%arg15 : memref<!tpu.dma_semaphore, #tpu.memory_space<semaphore_mem>>) src(%dma_wait3A_173 : memref<128x64xbf16, #tpu.memory_space<vmem>>) dst(%dma_wait3A_179 : memref<10240x64xbf16, #tpu.memory_space<vmem_shared>>)
      %add3A_180 = arith.constant 2 : i32
      %add3A_181 = arith.addi %add3A_168, %add3A_180 : i32
      %lt3A = arith.constant 158 : i32
      %lt3A_182 = arith.cmpi slt, %add3A_181, %lt3A : i32
      %convert_element_type3A_183 = arith.extui %lt3A_182 : i1 to i32
      %cond3A_184 = arith.constant 0 : i32
      %cond3A_185 = arith.cmpi ne, %convert_element_type3A_183, %cond3A_184 : i32
      scf.if %cond3A_185 {
        %add3A_206 = arith.constant 2 : i32
        %add3A_207 = arith.addi %add3A_168, %add3A_206 : i32
        %dma_start3A_208 = arith.constant 0 : i32
        %dma_start3A_209 = arith.constant 0 : i32
        %dma_start3A_210 = arith.constant 0 : i32
        %dma_start3A_211 = tpu.memref_slice %arg9[%dma_start3A_208, %dma_start3A_209, %dma_start3A_210] : memref<2x128x64xbf16, #tpu.memory_space<vmem>> -> memref<1x128x64xbf16, #tpu.memory_space<vmem>>
        %dma_start3A_212 = tpu.memref_squeeze %dma_start3A_211 : memref<1x128x64xbf16, #tpu.memory_space<vmem>> -> memref<128x64xbf16, #tpu.memory_space<vmem>>
        %dma_start3A_213 = arith.constant 0 : i32
        %dma_start3A_214 = tpu.memref_slice %arg7[%add3A_207, %dma_start3A_213] : memref<158x128xi32, #tpu.memory_space<vmem>> -> memref<1x128xi32, #tpu.memory_space<vmem>>
        %dma_start3A_215 = tpu.memref_squeeze %dma_start3A_214 : memref<1x128xi32, #tpu.memory_space<vmem>> -> memref<128xi32, #tpu.memory_space<vmem>>
        %dma_start3A_216 = arith.constant 0 : i32
        %dma_start3A_217 = arith.constant 0 : i32
        %dma_start3A_218 = tpu.memref_slice %arg2[%dma_start3A_216, %dma_start3A_217] : memref<20000x64xbf16, #tpu.memory_space<hbm>> -> memref<20000x64xbf16, #tpu.memory_space<hbm>>
        tpu.enqueue_indirect_dma source(%dma_start3A_218 : memref<20000x64xbf16, #tpu.memory_space<hbm>>) target(%dma_start3A_212 : memref<128x64xbf16, #tpu.memory_space<vmem>>) offsets(%dma_start3A_215 : memref<128xi32, #tpu.memory_space<vmem>>) semaphore(%arg13 : memref<!tpu.dma_semaphore, #tpu.memory_space<semaphore_mem>>)
      } else {
      }
      %add3A_186 = arith.constant 1 : i32
      %add3A_187 = arith.addi %add3A_111, %add3A_186 : i32
      %dma_wait3A_188 = arith.constant 1 : i32
      %dma_wait3A_189 = arith.constant 0 : i32
      %dma_wait3A_190 = arith.constant 0 : i32
      %dma_wait3A_191 = tpu.memref_slice %arg9[%dma_wait3A_188, %dma_wait3A_189, %dma_wait3A_190] : memref<2x128x64xbf16, #tpu.memory_space<vmem>> -> memref<1x128x64xbf16, #tpu.memory_space<vmem>>
      %dma_wait3A_192 = tpu.memref_squeeze %dma_wait3A_191 : memref<1x128x64xbf16, #tpu.memory_space<vmem>> -> memref<128x64xbf16, #tpu.memory_space<vmem>>
      %dma_wait3A_193 = arith.constant 0 : i32
      %dma_wait3A_194 = tpu.memref_slice %arg8[%add3A_187, %dma_wait3A_193] : memref<158x128xi32, #tpu.memory_space<vmem>> -> memref<1x128xi32, #tpu.memory_space<vmem>>
      %dma_wait3A_195 = tpu.memref_squeeze %dma_wait3A_194 : memref<1x128xi32, #tpu.memory_space<vmem>> -> memref<128xi32, #tpu.memory_space<vmem>>
      %dma_wait3A_196 = arith.constant 0 : i32
      %dma_wait3A_197 = arith.constant 0 : i32
      %dma_wait3A_198 = tpu.memref_slice %arg11[%dma_wait3A_196, %dma_wait3A_197] : memref<10240x64xbf16, #tpu.memory_space<vmem_shared>> -> memref<10240x64xbf16, #tpu.memory_space<vmem_shared>>
      tpu.wait_indirect_dma semaphore(%arg16 : memref<!tpu.dma_semaphore, #tpu.memory_space<semaphore_mem>>) src(%dma_wait3A_192 : memref<128x64xbf16, #tpu.memory_space<vmem>>) dst(%dma_wait3A_198 : memref<10240x64xbf16, #tpu.memory_space<vmem_shared>>)
      %add3A_199 = arith.constant 2 : i32
      %add3A_200 = arith.addi %add3A_187, %add3A_199 : i32
      %lt3A_201 = arith.constant 158 : i32
      %lt3A_202 = arith.cmpi slt, %add3A_200, %lt3A_201 : i32
      %convert_element_type3A_203 = arith.extui %lt3A_202 : i1 to i32
      %cond3A_204 = arith.constant 0 : i32
      %cond3A_205 = arith.cmpi ne, %convert_element_type3A_203, %cond3A_204 : i32
      scf.if %cond3A_205 {
        %add3A_206 = arith.constant 2 : i32
        %add3A_207 = arith.addi %add3A_187, %add3A_206 : i32
        %dma_start3A_208 = arith.constant 1 : i32
        %dma_start3A_209 = arith.constant 0 : i32
        %dma_start3A_210 = arith.constant 0 : i32
        %dma_start3A_211 = tpu.memref_slice %arg9[%dma_start3A_208, %dma_start3A_209, %dma_start3A_210] : memref<2x128x64xbf16, #tpu.memory_space<vmem>> -> memref<1x128x64xbf16, #tpu.memory_space<vmem>>
        %dma_start3A_212 = tpu.memref_squeeze %dma_start3A_211 : memref<1x128x64xbf16, #tpu.memory_space<vmem>> -> memref<128x64xbf16, #tpu.memory_space<vmem>>
        %dma_start3A_213 = arith.constant 0 : i32
        %dma_start3A_214 = tpu.memref_slice %arg7[%add3A_207, %dma_start3A_213] : memref<158x128xi32, #tpu.memory_space<vmem>> -> memref<1x128xi32, #tpu.memory_space<vmem>>
        %dma_start3A_215 = tpu.memref_squeeze %dma_start3A_214 : memref<1x128xi32, #tpu.memory_space<vmem>> -> memref<128xi32, #tpu.memory_space<vmem>>
        %dma_start3A_216 = arith.constant 0 : i32
        %dma_start3A_217 = arith.constant 0 : i32
        %dma_start3A_218 = tpu.memref_slice %arg2[%dma_start3A_216, %dma_start3A_217] : memref<20000x64xbf16, #tpu.memory_space<hbm>> -> memref<20000x64xbf16, #tpu.memory_space<hbm>>
        tpu.enqueue_indirect_dma source(%dma_start3A_218 : memref<20000x64xbf16, #tpu.memory_space<hbm>>) target(%dma_start3A_212 : memref<128x64xbf16, #tpu.memory_space<vmem>>) offsets(%dma_start3A_215 : memref<128xi32, #tpu.memory_space<vmem>>) semaphore(%arg14 : memref<!tpu.dma_semaphore, #tpu.memory_space<semaphore_mem>>)
      } else {
      }
    }
    %scan3A_91 = arith.constant 79 : i32
    %dma_wait3A = arith.constant 0 : i32
    %dma_wait3A_92 = arith.constant 0 : i32
    %dma_wait3A_93 = tpu.memref_slice %arg8[%dma_wait3A, %dma_wait3A_92] : memref<158x128xi32, #tpu.memory_space<vmem>> -> memref<1x128xi32, #tpu.memory_space<vmem>>
    %dma_wait3A_94 = tpu.memref_squeeze %dma_wait3A_93 : memref<1x128xi32, #tpu.memory_space<vmem>> -> memref<128xi32, #tpu.memory_space<vmem>>
    %dma_wait3A_95 = arith.constant 0 : i32
    %dma_wait3A_96 = arith.constant 0 : i32
    %dma_wait3A_97 = tpu.memref_slice %arg12[%dma_wait3A_95, %dma_wait3A_96] : memref<10240x16xf32, #tpu.memory_space<vmem_shared>> -> memref<10240x16xf32, #tpu.memory_space<vmem_shared>>
    tpu.wait_indirect_dma semaphore(%arg17 : memref<!tpu.dma_semaphore, #tpu.memory_space<semaphore_mem>>) src(%arg10 : memref<128x16xf32, #tpu.memory_space<vmem>>) dst(%dma_wait3A_97 : memref<10240x16xf32, #tpu.memory_space<vmem_shared>>)
    %barrier3A_98 = arith.constant 0 : index
    tpu.barrier barrier_id(%barrier3A_98)
    %mul3A_99 = arith.constant 640 : i32
    %mul3A_100 = arith.muli %arg1, %mul3A_99 : i32
    %mul3A_101 = arith.constant 640 : i32
    %mul3A_102 = arith.muli %arg1, %mul3A_101 : i32
    "tpu.region"() ({
      %run_scoped3A_107 = tpu.sem_alloc : memref<!tpu.dma_semaphore, #tpu.memory_space<semaphore_mem>>
      %dma_start3A_108 = arith.constant 0 : i32
      %dma_start3A_109 = tpu.memref_slice %arg5[%arg0, %mul3A_102, %dma_start3A_108] : memref<2x10240x64xbf16, #tpu.memory_space<hbm>> -> memref<1x640x64xbf16, #tpu.memory_space<hbm>>
      %dma_start3A_110 = tpu.memref_squeeze %dma_start3A_109 : memref<1x640x64xbf16, #tpu.memory_space<hbm>> -> memref<640x64xbf16, #tpu.memory_space<hbm>>
      %dma_start3A_111 = arith.constant 0 : i32
      %dma_start3A_112 = tpu.memref_slice %arg11[%mul3A_100, %dma_start3A_111] : memref<10240x64xbf16, #tpu.memory_space<vmem_shared>> -> memref<640x64xbf16, #tpu.memory_space<vmem_shared>>
      tpu.enqueue_dma source(%dma_start3A_112 : memref<640x64xbf16, #tpu.memory_space<vmem_shared>>) target(%dma_start3A_110 : memref<640x64xbf16, #tpu.memory_space<hbm>>) target_semaphore(%run_scoped3A_107 : memref<!tpu.dma_semaphore, #tpu.memory_space<semaphore_mem>>)
      %dma_wait3A_113 = arith.constant 0 : i32
      %dma_wait3A_114 = tpu.memref_slice %arg5[%arg0, %mul3A_102, %dma_wait3A_113] : memref<2x10240x64xbf16, #tpu.memory_space<hbm>> -> memref<1x640x64xbf16, #tpu.memory_space<hbm>>
      %dma_wait3A_115 = tpu.memref_squeeze %dma_wait3A_114 : memref<1x640x64xbf16, #tpu.memory_space<hbm>> -> memref<640x64xbf16, #tpu.memory_space<hbm>>
      %dma_wait3A_116 = arith.constant 0 : i32
      %dma_wait3A_117 = tpu.memref_slice %arg11[%mul3A_100, %dma_wait3A_116] : memref<10240x64xbf16, #tpu.memory_space<vmem_shared>> -> memref<640x64xbf16, #tpu.memory_space<vmem_shared>>
      tpu.wait_dma2 semaphore(%run_scoped3A_107 : memref<!tpu.dma_semaphore, #tpu.memory_space<semaphore_mem>>) src(%dma_wait3A_117 : memref<640x64xbf16, #tpu.memory_space<vmem_shared>>) dst(%dma_wait3A_115 : memref<640x64xbf16, #tpu.memory_space<hbm>>)
      tpu.yield
    }) : () -> ()
    %mul3A_103 = arith.constant 640 : i32
    %mul3A_104 = arith.muli %arg1, %mul3A_103 : i32
    %mul3A_105 = arith.constant 640 : i32
    %mul3A_106 = arith.muli %arg1, %mul3A_105 : i32
    "tpu.region"() ({
      %run_scoped3A_107 = tpu.sem_alloc : memref<!tpu.dma_semaphore, #tpu.memory_space<semaphore_mem>>
      %dma_start3A_108 = arith.constant 0 : i32
      %dma_start3A_109 = tpu.memref_slice %arg6[%arg0, %mul3A_106, %dma_start3A_108] : memref<2x10240x16xf32, #tpu.memory_space<hbm>> -> memref<1x640x16xf32, #tpu.memory_space<hbm>>
      %dma_start3A_110 = tpu.memref_squeeze %dma_start3A_109 : memref<1x640x16xf32, #tpu.memory_space<hbm>> -> memref<640x16xf32, #tpu.memory_space<hbm>>
      %dma_start3A_111 = arith.constant 0 : i32
      %dma_start3A_112 = tpu.memref_slice %arg12[%mul3A_104, %dma_start3A_111] : memref<10240x16xf32, #tpu.memory_space<vmem_shared>> -> memref<640x16xf32, #tpu.memory_space<vmem_shared>>
      tpu.enqueue_dma source(%dma_start3A_112 : memref<640x16xf32, #tpu.memory_space<vmem_shared>>) target(%dma_start3A_110 : memref<640x16xf32, #tpu.memory_space<hbm>>) target_semaphore(%run_scoped3A_107 : memref<!tpu.dma_semaphore, #tpu.memory_space<semaphore_mem>>)
      %dma_wait3A_113 = arith.constant 0 : i32
      %dma_wait3A_114 = tpu.memref_slice %arg6[%arg0, %mul3A_106, %dma_wait3A_113] : memref<2x10240x16xf32, #tpu.memory_space<hbm>> -> memref<1x640x16xf32, #tpu.memory_space<hbm>>
      %dma_wait3A_115 = tpu.memref_squeeze %dma_wait3A_114 : memref<1x640x16xf32, #tpu.memory_space<hbm>> -> memref<640x16xf32, #tpu.memory_space<hbm>>
      %dma_wait3A_116 = arith.constant 0 : i32
      %dma_wait3A_117 = tpu.memref_slice %arg12[%mul3A_104, %dma_wait3A_116] : memref<10240x16xf32, #tpu.memory_space<vmem_shared>> -> memref<640x16xf32, #tpu.memory_space<vmem_shared>>
      tpu.wait_dma2 semaphore(%run_scoped3A_107 : memref<!tpu.dma_semaphore, #tpu.memory_space<semaphore_mem>>) src(%dma_wait3A_117 : memref<640x16xf32, #tpu.memory_space<vmem_shared>>) dst(%dma_wait3A_115 : memref<640x16xf32, #tpu.memory_space<hbm>>)
      tpu.yield
    }) : () -> ()
    return
  }
}

module attributes {stable_mosaic.version = 14 : i64} {
  func.func @_gru_pool_body(%arg0: i32, %arg1: memref<1000x128xf32, #tpu.memory_space<vmem>>, %arg2: memref<2x1000x64xbf16, #tpu.memory_space<vmem>>, %arg3: memref<2x1000x16xf32, #tpu.memory_space<vmem>>, %arg4: memref<1x1x1000xi32, #tpu.memory_space<vmem>>, %arg5: memref<128x128xf32, #tpu.memory_space<vmem>>, %arg6: memref<1x128xf32, #tpu.memory_space<vmem>>, %arg7: memref<384x128xf32, #tpu.memory_space<vmem>>, %arg8: memref<384x128xf32, #tpu.memory_space<vmem>>, %arg9: memref<1x384xf32, #tpu.memory_space<vmem>>, %arg10: memref<1x384xf32, #tpu.memory_space<vmem>>, %arg11: memref<512x128xf32, #tpu.memory_space<vmem>>, %arg12: memref<512x128xf32, #tpu.memory_space<vmem>>) attributes {dimension_semantics = [#tpu.dimension_semantics<arbitrary>], iteration_bounds = array<i64: 10>, scalar_prefetch = 0 : i64, scratch_operands = 0 : i64, tpu.core_type = #tpu.core_type<tc>, window_params = [{transform_indices = @transform_0, window_bounds = array<i64: 1000, 128>}, {transform_indices = @transform_1, window_bounds = array<i64: 2, 1000, 64>}, {transform_indices = @transform_2, window_bounds = array<i64: 2, 1000, 16>}, {transform_indices = @transform_3, window_bounds = array<i64: 1, 1, 1000>}, {pipeline_mode = #tpu.pipeline_mode<synchronous>, transform_indices = @transform_4, window_bounds = array<i64: 128, 128>}, {pipeline_mode = #tpu.pipeline_mode<synchronous>, transform_indices = @transform_5, window_bounds = array<i64: 1, 128>}, {pipeline_mode = #tpu.pipeline_mode<synchronous>, transform_indices = @transform_6, window_bounds = array<i64: 384, 128>}, {pipeline_mode = #tpu.pipeline_mode<synchronous>, transform_indices = @transform_7, window_bounds = array<i64: 384, 128>}, {pipeline_mode = #tpu.pipeline_mode<synchronous>, transform_indices = @transform_8, window_bounds = array<i64: 1, 384>}, {pipeline_mode = #tpu.pipeline_mode<synchronous>, transform_indices = @transform_9, window_bounds = array<i64: 1, 384>}, {pipeline_mode = #tpu.pipeline_mode<synchronous>, transform_indices = @transform_10, window_bounds = array<i64: 512, 128>}, {pipeline_mode = #tpu.pipeline_mode<synchronous>, transform_indices = @transform_11, window_bounds = array<i64: 512, 128>}]} {
    %get3A = arith.constant 0 : index
    %get3A_0 = arith.constant 0 : index
    %get3A_1 = vector.load %arg1[%get3A, %get3A_0] : memref<1000x128xf32, #tpu.memory_space<vmem>>, vector<1000x128xf32>
    %get3A_2 = arith.constant 0 : index
    %get3A_3 = arith.constant 0 : index
    %get3A_4 = arith.constant 0 : index
    %get3A_5 = vector.load %arg3[%get3A_2, %get3A_3, %get3A_4] : memref<2x1000x16xf32, #tpu.memory_space<vmem>>, vector<1x1000x1xf32>
    %get3A_6 = vector.shape_cast %get3A_5 : vector<1x1000x1xf32> to vector<1000xf32>
    %get3A_7 = arith.constant 1 : index
    %get3A_8 = arith.constant 0 : index
    %get3A_9 = arith.constant 0 : index
    %get3A_10 = vector.load %arg3[%get3A_7, %get3A_8, %get3A_9] : memref<2x1000x16xf32, #tpu.memory_space<vmem>>, vector<1x1000x1xf32>
    %get3A_11 = vector.shape_cast %get3A_10 : vector<1x1000x1xf32> to vector<1000xf32>
    %add3A = arith.addf %get3A_6, %get3A_11 : vector<1000xf32>
    %max3A = arith.constant 1.000000e+00 : f32
    %max3A_12 = vector.broadcast %max3A : f32 to vector<1000xf32>
    %max3A_13 = arith.maximumf %add3A, %max3A_12 : vector<1000xf32>
    %get3A_14 = arith.constant 0 : index
    %get3A_15 = arith.constant 0 : index
    %get3A_16 = arith.constant 0 : index
    %get3A_17 = vector.load %arg2[%get3A_14, %get3A_15, %get3A_16] : memref<2x1000x64xbf16, #tpu.memory_space<vmem>>, vector<1x1000x64xbf16>
    %get3A_18 = vector.shape_cast %get3A_17 : vector<1x1000x64xbf16> to vector<1000x64xbf16>
    %get3A_19 = arith.constant 1 : index
    %get3A_20 = arith.constant 0 : index
    %get3A_21 = arith.constant 0 : index
    %get3A_22 = vector.load %arg2[%get3A_19, %get3A_20, %get3A_21] : memref<2x1000x64xbf16, #tpu.memory_space<vmem>>, vector<1x1000x64xbf16>
    %get3A_23 = vector.shape_cast %get3A_22 : vector<1x1000x64xbf16> to vector<1000x64xbf16>
    %concatenate3A = tpu.concatenate %get3A_18, %get3A_23 in 1 : vector<1000x64xbf16>, vector<1000x64xbf16> -> vector<1000x128xbf16>
    %convert_element_type3A = arith.extf %concatenate3A : vector<1000x128xbf16> to vector<1000x128xf32>
    %broadcast_in_dim3A = vector.shape_cast %max3A_13 : vector<1000xf32> to vector<1000x1xf32>
    %div3A = vector.broadcast %broadcast_in_dim3A : vector<1000x1xf32> to vector<1000x128xf32>
    %div3A_24 = arith.divf %convert_element_type3A, %div3A : vector<1000x128xf32>
    %get3A_25 = arith.constant 0 : index
    %get3A_26 = arith.constant 0 : index
    %get3A_27 = vector.load %arg5[%get3A_25, %get3A_26] : memref<128x128xf32, #tpu.memory_space<vmem>>, vector<128x128xf32>
    %get3A_28 = arith.constant 0 : index
    %get3A_29 = arith.constant 0 : index
    %get3A_30 = vector.load %arg6[%get3A_28, %get3A_29] : memref<1x128xf32, #tpu.memory_space<vmem>>, vector<1x128xf32>
    %dot_general3A = arith.constant dense<0.000000e+00> : vector<1000x128xf32>
    %dot_general3A_31 = tpu.matmul %get3A_1, %get3A_27, %dot_general3A {dimension_numbers = #tpu.dot_dimension_numbers<[1], [1], [0], [0], [0, 0, 1, 0], [], []>, transpose_lhs_hint = false} : vector<1000x128xf32>, vector<128x128xf32>, vector<1000x128xf32> -> vector<1000x128xf32>
    %add3A_32 = vector.broadcast %get3A_30 : vector<1x128xf32> to vector<1000x128xf32>
    %add3A_33 = arith.addf %dot_general3A_31, %add3A_32 : vector<1000x128xf32>
    %dot_general3A_34 = arith.constant dense<0.000000e+00> : vector<1000x128xf32>
    %dot_general3A_35 = tpu.matmul %div3A_24, %get3A_27, %dot_general3A_34 {dimension_numbers = #tpu.dot_dimension_numbers<[1], [1], [0], [0], [0, 0, 1, 0], [], []>, transpose_lhs_hint = false} : vector<1000x128xf32>, vector<128x128xf32>, vector<1000x128xf32> -> vector<1000x128xf32>
    %add3A_36 = vector.broadcast %get3A_30 : vector<1x128xf32> to vector<1000x128xf32>
    %add3A_37 = arith.addf %dot_general3A_35, %add3A_36 : vector<1000x128xf32>
    %get3A_38 = arith.constant 0 : index
    %get3A_39 = arith.constant 0 : index
    %get3A_40 = vector.load %arg7[%get3A_38, %get3A_39] : memref<384x128xf32, #tpu.memory_space<vmem>>, vector<384x128xf32>
    %dot_general3A_41 = arith.constant dense<0.000000e+00> : vector<1000x384xf32>
    %dot_general3A_42 = tpu.matmul %add3A_37, %get3A_40, %dot_general3A_41 {dimension_numbers = #tpu.dot_dimension_numbers<[1], [1], [0], [0], [0, 0, 1, 0], [], []>, transpose_lhs_hint = false} : vector<1000x128xf32>, vector<384x128xf32>, vector<1000x384xf32> -> vector<1000x384xf32>
    %get3A_43 = arith.constant 0 : index
    %get3A_44 = arith.constant 0 : index
    %get3A_45 = vector.load %arg9[%get3A_43, %get3A_44] : memref<1x384xf32, #tpu.memory_space<vmem>>, vector<1x384xf32>
    %add3A_46 = vector.broadcast %get3A_45 : vector<1x384xf32> to vector<1000x384xf32>
    %add3A_47 = arith.addf %dot_general3A_42, %add3A_46 : vector<1000x384xf32>
    %get3A_48 = arith.constant 0 : index
    %get3A_49 = arith.constant 0 : index
    %get3A_50 = vector.load %arg8[%get3A_48, %get3A_49] : memref<384x128xf32, #tpu.memory_space<vmem>>, vector<384x128xf32>
    %dot_general3A_51 = arith.constant dense<0.000000e+00> : vector<1000x384xf32>
    %dot_general3A_52 = tpu.matmul %add3A_33, %get3A_50, %dot_general3A_51 {dimension_numbers = #tpu.dot_dimension_numbers<[1], [1], [0], [0], [0, 0, 1, 0], [], []>, transpose_lhs_hint = false} : vector<1000x128xf32>, vector<384x128xf32>, vector<1000x384xf32> -> vector<1000x384xf32>
    %get3A_53 = arith.constant 0 : index
    %get3A_54 = arith.constant 0 : index
    %get3A_55 = vector.load %arg10[%get3A_53, %get3A_54] : memref<1x384xf32, #tpu.memory_space<vmem>>, vector<1x384xf32>
    %add3A_56 = vector.broadcast %get3A_55 : vector<1x384xf32> to vector<1000x384xf32>
    %add3A_57 = arith.addf %dot_general3A_52, %add3A_56 : vector<1000x384xf32>
    %slice3A = vector.extract_strided_slice %add3A_47 {offsets = [0, 0], sizes = [1000, 128], strides = [1, 1]} : vector<1000x384xf32> to vector<1000x128xf32>
    %slice3A_58 = vector.extract_strided_slice %add3A_57 {offsets = [0, 0], sizes = [1000, 128], strides = [1, 1]} : vector<1000x384xf32> to vector<1000x128xf32>
    %add3A_59 = arith.addf %slice3A, %slice3A_58 : vector<1000x128xf32>
    %logistic3A = arith.negf %add3A_59 : vector<1000x128xf32>
    %logistic3A_60 = math.exp %logistic3A : vector<1000x128xf32>
    %logistic3A_61 = arith.constant 1.000000e+00 : f32
    %logistic3A_62 = vector.broadcast %logistic3A_61 : f32 to vector<1000x128xf32>
    %logistic3A_63 = arith.addf %logistic3A_62, %logistic3A_60 : vector<1000x128xf32>
    %logistic3A_64 = arith.divf %logistic3A_62, %logistic3A_63 : vector<1000x128xf32>
    %slice3A_65 = vector.extract_strided_slice %add3A_47 {offsets = [0, 128], sizes = [1000, 128], strides = [1, 1]} : vector<1000x384xf32> to vector<1000x128xf32>
    %slice3A_66 = vector.extract_strided_slice %add3A_57 {offsets = [0, 128], sizes = [1000, 128], strides = [1, 1]} : vector<1000x384xf32> to vector<1000x128xf32>
    %add3A_67 = arith.addf %slice3A_65, %slice3A_66 : vector<1000x128xf32>
    %logistic3A_68 = arith.negf %add3A_67 : vector<1000x128xf32>
    %logistic3A_69 = math.exp %logistic3A_68 : vector<1000x128xf32>
    %logistic3A_70 = arith.constant 1.000000e+00 : f32
    %logistic3A_71 = vector.broadcast %logistic3A_70 : f32 to vector<1000x128xf32>
    %logistic3A_72 = arith.addf %logistic3A_71, %logistic3A_69 : vector<1000x128xf32>
    %logistic3A_73 = arith.divf %logistic3A_71, %logistic3A_72 : vector<1000x128xf32>
    %slice3A_74 = vector.extract_strided_slice %add3A_47 {offsets = [0, 256], sizes = [1000, 128], strides = [1, 1]} : vector<1000x384xf32> to vector<1000x128xf32>
    %slice3A_75 = vector.extract_strided_slice %add3A_57 {offsets = [0, 256], sizes = [1000, 128], strides = [1, 1]} : vector<1000x384xf32> to vector<1000x128xf32>
    %mul3A = arith.mulf %logistic3A_64, %slice3A_75 : vector<1000x128xf32>
    %add3A_76 = arith.addf %slice3A_74, %mul3A : vector<1000x128xf32>
    %tanh3A = math.tanh %add3A_76 : vector<1000x128xf32>
    %sub3A = arith.constant 1.000000e+00 : f32
    %sub3A_77 = vector.broadcast %sub3A : f32 to vector<1000x128xf32>
    %sub3A_78 = arith.subf %sub3A_77, %logistic3A_73 : vector<1000x128xf32>
    %mul3A_79 = arith.mulf %sub3A_78, %tanh3A : vector<1000x128xf32>
    %mul3A_80 = arith.mulf %logistic3A_73, %add3A_33 : vector<1000x128xf32>
    %add3A_81 = arith.addf %mul3A_79, %mul3A_80 : vector<1000x128xf32>
    %get3A_82 = arith.constant 0 : index
    %get3A_83 = arith.constant 0 : index
    %get3A_84 = arith.constant 0 : index
    %get3A_85 = vector.load %arg4[%get3A_82, %get3A_83, %get3A_84] : memref<1x1x1000xi32, #tpu.memory_space<vmem>>, vector<1x1x1000xi32>
    %get3A_86 = vector.shape_cast %get3A_85 : vector<1x1x1000xi32> to vector<1000xi32>
    %iota3A = tpu.iota {dimensions = array<i32: 0>} : vector<512x1000xi32>
    %broadcast_in_dim3A_87 = vector.shape_cast %get3A_86 : vector<1000xi32> to vector<1x1000xi32>
    %eq3A = vector.broadcast %broadcast_in_dim3A_87 : vector<1x1000xi32> to vector<512x1000xi32>
    %eq3A_88 = arith.cmpi eq, %iota3A, %eq3A : vector<512x1000xi32>
    %convert_element_type3A_89 = arith.extui %eq3A_88 : vector<512x1000xi1> to vector<512x1000xi32>
    %convert_element_type3A_90 = arith.sitofp %convert_element_type3A_89 : vector<512x1000xi32> to vector<512x1000xf32>
    %dot_general3A_91 = arith.constant dense<0.000000e+00> : vector<512x128xf32>
    %dot_general3A_92 = tpu.matmul %convert_element_type3A_90, %add3A_81, %dot_general3A_91 {dimension_numbers = #tpu.dot_dimension_numbers<[1], [0], [0], [1], [0, 0, 1, 1], [], []>, transpose_lhs_hint = false} : vector<512x1000xf32>, vector<1000x128xf32>, vector<512x128xf32> -> vector<512x128xf32>
    %reduce_sum3A = arith.constant dense<0.000000e+00> : vector<512xf32>
    %reduce_sum3A_93 = vector.multi_reduction <add>, %convert_element_type3A_90, %reduce_sum3A [1] : vector<512x1000xf32> to vector<512xf32>
    %broadcast_in_dim3A_94 = vector.shape_cast %reduce_sum3A_93 : vector<512xf32> to vector<512x1xf32>
    %eq3A_95 = arith.constant 0 : i32
    %eq3A_96 = arith.cmpi eq, %arg0, %eq3A_95 : i32
    %convert_element_type3A_97 = arith.extui %eq3A_96 : i1 to i32
    %cond3A = arith.constant 0 : i32
    %cond3A_98 = arith.cmpi ne, %convert_element_type3A_97, %cond3A : i32
    scf.if %cond3A_98 {
      %broadcast_in_dim3A_114 = arith.constant 0.000000e+00 : f32
      %broadcast_in_dim3A_115 = vector.broadcast %broadcast_in_dim3A_114 : f32 to vector<512x128xf32>
      %swap3A_116 = arith.constant 0 : index
      %swap3A_117 = arith.constant 0 : index
      %swap3A_118 = vector.load %arg11[%swap3A_116, %swap3A_117] : memref<512x128xf32, #tpu.memory_space<vmem>>, vector<512x128xf32>
      tpu.vector_store %arg11[%swap3A_116, %swap3A_117], %broadcast_in_dim3A_115 {strides = array<i32>} : memref<512x128xf32, #tpu.memory_space<vmem>>, vector<512x128xf32>,
      %broadcast_in_dim3A_119 = arith.constant 0.000000e+00 : f32
      %broadcast_in_dim3A_120 = vector.broadcast %broadcast_in_dim3A_119 : f32 to vector<512x128xf32>
      %swap3A_121 = arith.constant 0 : index
      %swap3A_122 = arith.constant 0 : index
      %swap3A_123 = vector.load %arg12[%swap3A_121, %swap3A_122] : memref<512x128xf32, #tpu.memory_space<vmem>>, vector<512x128xf32>
      tpu.vector_store %arg12[%swap3A_121, %swap3A_122], %broadcast_in_dim3A_120 {strides = array<i32>} : memref<512x128xf32, #tpu.memory_space<vmem>>, vector<512x128xf32>,
    } else {
    }
    %get3A_99 = arith.constant 0 : index
    %get3A_100 = arith.constant 0 : index
    %get3A_101 = vector.load %arg11[%get3A_99, %get3A_100] : memref<512x128xf32, #tpu.memory_space<vmem>>, vector<512x128xf32>
    %add3A_102 = arith.addf %get3A_101, %dot_general3A_92 : vector<512x128xf32>
    %swap3A = arith.constant 0 : index
    %swap3A_103 = arith.constant 0 : index
    %swap3A_104 = vector.load %arg11[%swap3A, %swap3A_103] : memref<512x128xf32, #tpu.memory_space<vmem>>, vector<512x128xf32>
    tpu.vector_store %arg11[%swap3A, %swap3A_103], %add3A_102 {strides = array<i32>} : memref<512x128xf32, #tpu.memory_space<vmem>>, vector<512x128xf32>,
    %get3A_105 = arith.constant 0 : index
    %get3A_106 = arith.constant 0 : index
    %get3A_107 = vector.load %arg12[%get3A_105, %get3A_106] : memref<512x128xf32, #tpu.memory_space<vmem>>, vector<512x128xf32>
    %broadcast_in_dim3A_108 = vector.shape_cast %broadcast_in_dim3A_94 : vector<512x1xf32> to vector<512x1xf32>
    %broadcast_in_dim3A_109 = vector.broadcast %broadcast_in_dim3A_108 : vector<512x1xf32> to vector<512x128xf32>
    %add3A_110 = arith.addf %get3A_107, %broadcast_in_dim3A_109 : vector<512x128xf32>
    %swap3A_111 = arith.constant 0 : index
    %swap3A_112 = arith.constant 0 : index
    %swap3A_113 = vector.load %arg12[%swap3A_111, %swap3A_112] : memref<512x128xf32, #tpu.memory_space<vmem>>, vector<512x128xf32>
    tpu.vector_store %arg12[%swap3A_111, %swap3A_112], %add3A_110 {strides = array<i32>} : memref<512x128xf32, #tpu.memory_space<vmem>>, vector<512x128xf32>,
    return
  }
  func.func @transform_0(%arg0: i32) -> (i32, i32) {
    %c0_i32 = arith.constant 0 : i32
    %c0_i32_0 = arith.constant 0 : i32
    return %arg0, %c0_i32 : i32, i32
  }
  func.func @transform_1(%arg0: i32) -> (i32, i32, i32) {
    %c0_i32 = arith.constant 0 : i32
    %c0_i32_0 = arith.constant 0 : i32
    %c0_i32_1 = arith.constant 0 : i32
    return %c0_i32, %arg0, %c0_i32_0 : i32, i32, i32
  }
  func.func @transform_2(%arg0: i32) -> (i32, i32, i32) {
    %c0_i32 = arith.constant 0 : i32
    %c0_i32_0 = arith.constant 0 : i32
    %c0_i32_1 = arith.constant 0 : i32
    return %c0_i32, %arg0, %c0_i32_0 : i32, i32, i32
  }
  func.func @transform_3(%arg0: i32) -> (i32, i32, i32) {
    %c0_i32 = arith.constant 0 : i32
    %c0_i32_0 = arith.constant 0 : i32
    %c0_i32_1 = arith.constant 0 : i32
    return %arg0, %c0_i32, %c0_i32_0 : i32, i32, i32
  }
  func.func @transform_4(%arg0: i32) -> (i32, i32) {
    %c0_i32 = arith.constant 0 : i32
    %c0_i32_0 = arith.constant 0 : i32
    %c0_i32_1 = arith.constant 0 : i32
    return %c0_i32, %c0_i32_0 : i32, i32
  }
  func.func @transform_5(%arg0: i32) -> (i32, i32) {
    %c0_i32 = arith.constant 0 : i32
    %c0_i32_0 = arith.constant 0 : i32
    %c0_i32_1 = arith.constant 0 : i32
    return %c0_i32, %c0_i32_0 : i32, i32
  }
  func.func @transform_6(%arg0: i32) -> (i32, i32) {
    %c0_i32 = arith.constant 0 : i32
    %c0_i32_0 = arith.constant 0 : i32
    %c0_i32_1 = arith.constant 0 : i32
    return %c0_i32, %c0_i32_0 : i32, i32
  }
  func.func @transform_7(%arg0: i32) -> (i32, i32) {
    %c0_i32 = arith.constant 0 : i32
    %c0_i32_0 = arith.constant 0 : i32
    %c0_i32_1 = arith.constant 0 : i32
    return %c0_i32, %c0_i32_0 : i32, i32
  }
  func.func @transform_8(%arg0: i32) -> (i32, i32) {
    %c0_i32 = arith.constant 0 : i32
    %c0_i32_0 = arith.constant 0 : i32
    %c0_i32_1 = arith.constant 0 : i32
    return %c0_i32, %c0_i32_0 : i32, i32
  }
  func.func @transform_9(%arg0: i32) -> (i32, i32) {
    %c0_i32 = arith.constant 0 : i32
    %c0_i32_0 = arith.constant 0 : i32
    %c0_i32_1 = arith.constant 0 : i32
    return %c0_i32, %c0_i32_0 : i32, i32
  }
  func.func @transform_10(%arg0: i32) -> (i32, i32) {
    %c0_i32 = arith.constant 0 : i32
    %c0_i32_0 = arith.constant 0 : i32
    %c0_i32_1 = arith.constant 0 : i32
    return %c0_i32, %c0_i32_0 : i32, i32
  }
  func.func @transform_11(%arg0: i32) -> (i32, i32) {
    %c0_i32 = arith.constant 0 : i32
    %c0_i32_0 = arith.constant 0 : i32
    %c0_i32_1 = arith.constant 0 : i32
    return %c0_i32, %c0_i32_0 : i32, i32
  }
}

module attributes {stable_mosaic.version = 14 : i64} {
  func.func @_fc_body(%arg0: i32, %arg1: memref<512x128xf32, #tpu.memory_space<vmem>>, %arg2: memref<512x128xf32, #tpu.memory_space<vmem>>, %arg3: memref<1024x128xf32, #tpu.memory_space<vmem>>, %arg4: memref<1x1024xf32, #tpu.memory_space<vmem>>, %arg5: memref<512x1024xf32, #tpu.memory_space<vmem>>) attributes {dimension_semantics = [#tpu.dimension_semantics<arbitrary>], iteration_bounds = array<i64: 10>, scalar_prefetch = 0 : i64, scratch_operands = 0 : i64, tpu.core_type = #tpu.core_type<tc>, window_params = [{pipeline_mode = #tpu.pipeline_mode<synchronous>, transform_indices = @transform_0, window_bounds = array<i64: 512, 128>}, {pipeline_mode = #tpu.pipeline_mode<synchronous>, transform_indices = @transform_1, window_bounds = array<i64: 512, 128>}, {transform_indices = @transform_2, window_bounds = array<i64: 1024, 128>}, {transform_indices = @transform_3, window_bounds = array<i64: 1, 1024>}, {transform_indices = @transform_4, window_bounds = array<i64: 512, 1024>}]} {
    %get3A = arith.constant 0 : index
    %get3A_0 = arith.constant 0 : index
    %get3A_1 = vector.load %arg1[%get3A, %get3A_0] : memref<512x128xf32, #tpu.memory_space<vmem>>, vector<512x128xf32>
    %get3A_2 = arith.constant 0 : index
    %get3A_3 = arith.constant 0 : index
    %get3A_4 = vector.load %arg2[%get3A_2, %get3A_3] : memref<512x128xf32, #tpu.memory_space<vmem>>, vector<512x1xf32>
    %max3A = arith.constant 1.000000e+00 : f32
    %max3A_5 = vector.broadcast %max3A : f32 to vector<512x1xf32>
    %max3A_6 = arith.maximumf %get3A_4, %max3A_5 : vector<512x1xf32>
    %div3A = vector.broadcast %max3A_6 : vector<512x1xf32> to vector<512x128xf32>
    %div3A_7 = arith.divf %get3A_1, %div3A : vector<512x128xf32>
    %get3A_8 = arith.constant 0 : index
    %get3A_9 = arith.constant 0 : index
    %get3A_10 = vector.load %arg3[%get3A_8, %get3A_9] : memref<1024x128xf32, #tpu.memory_space<vmem>>, vector<1024x128xf32>
    %dot_general3A = arith.constant dense<0.000000e+00> : vector<512x1024xf32>
    %dot_general3A_11 = tpu.matmul %div3A_7, %get3A_10, %dot_general3A {dimension_numbers = #tpu.dot_dimension_numbers<[1], [1], [0], [0], [0, 0, 1, 0], [], []>, transpose_lhs_hint = false} : vector<512x128xf32>, vector<1024x128xf32>, vector<512x1024xf32> -> vector<512x1024xf32>
    %get3A_12 = arith.constant 0 : index
    %get3A_13 = arith.constant 0 : index
    %get3A_14 = vector.load %arg4[%get3A_12, %get3A_13] : memref<1x1024xf32, #tpu.memory_space<vmem>>, vector<1x1024xf32>
    %add3A = vector.broadcast %get3A_14 : vector<1x1024xf32> to vector<512x1024xf32>
    %add3A_15 = arith.addf %dot_general3A_11, %add3A : vector<512x1024xf32>
    %swap3A = arith.constant 0 : index
    %swap3A_16 = arith.constant 0 : index
    %swap3A_17 = vector.load %arg5[%swap3A, %swap3A_16] : memref<512x1024xf32, #tpu.memory_space<vmem>>, vector<512x1024xf32>
    tpu.vector_store %arg5[%swap3A, %swap3A_16], %add3A_15 {strides = array<i32>} : memref<512x1024xf32, #tpu.memory_space<vmem>>, vector<512x1024xf32>,
    return
  }
  func.func @transform_0(%arg0: i32) -> (i32, i32) {
    %c0_i32 = arith.constant 0 : i32
    %c0_i32_0 = arith.constant 0 : i32
    %c0_i32_1 = arith.constant 0 : i32
    return %c0_i32, %c0_i32_0 : i32, i32
  }
  func.func @transform_1(%arg0: i32) -> (i32, i32) {
    %c0_i32 = arith.constant 0 : i32
    %c0_i32_0 = arith.constant 0 : i32
    %c0_i32_1 = arith.constant 0 : i32
    return %c0_i32, %c0_i32_0 : i32, i32
  }
  func.func @transform_2(%arg0: i32) -> (i32, i32) {
    %c0_i32 = arith.constant 0 : i32
    %c0_i32_0 = arith.constant 0 : i32
    return %arg0, %c0_i32 : i32, i32
  }
  func.func @transform_3(%arg0: i32) -> (i32, i32) {
    %c0_i32 = arith.constant 0 : i32
    %c0_i32_0 = arith.constant 0 : i32
    return %c0_i32, %arg0 : i32, i32
  }
  func.func @transform_4(%arg0: i32) -> (i32, i32) {
    %c0_i32 = arith.constant 0 : i32
    %c0_i32_0 = arith.constant 0 : i32
    return %c0_i32, %arg0 : i32, i32
  }
}

</mosaic_0001>

<sc_bundles>
// kernel: kernel.5.cloned.1.call-start
scs
__scs_entry_jumppad:
0x0: {  	(pc) =	sbr.rel $0x88, $3  }
0x1: {  	(tag) =	ssettag $0x0;
	lr =	simm.s32 $0x1  }
0x2: {  	[smem:$0x3F96] =	sst lr;
	_ =	strace $0xD0000000  }
0x3: {  	_ = 	snop  }
0x4: {  	_ = 	snop  }
0x5: {  	_ = 	snop  }
0x6: {  	_ = 	snop  }
0x7: {  	_ = 	snop  }
__scs_overlays_trampoline_lowered:
0x8: {  	[smem:$0x3FA5] =	sst s0  }
0x9: {  	[smem:$0x3FA6] =	sst s1  }
0xa: {  	[smem:$0x3FA7] =	sst s2  }
0xb: {  	[smem:$0x3FA8] =	sst s3  }
0xc: {  	[smem:$0x3FA9] =	sst s4  }
0xd: {  	[smem:$0x3FAA] =	sst s5  }
0xe: {  	[smem:$0x3FAB] =	sst s6  }
0xf: {  	[smem:$0x3FAC] =	sst s7  }
0x10: {  	[smem:$0x3FAD] =	sst s8  }
0x11: {  	[smem:$0x3FAE] =	sst s9;
	s0 =	simm.s32 @!p0 $0x0  }
0x12: {  	s1 =	sld [smem:$0x3F94];
	s0 =	simm.s32 @p0 $0x1  }
0x13: {  	[smem:$0x3FAF] =	sst s0;
	s0 =	simm.s32 @!p1 $0x0  }
0x14: {  	s2 =	sld [smem:$0x3F93];
	s0 =	simm.s32 @p1 $0x1  }
0x15: {  	[smem:$0x3FB0] =	sst s0;
	s0 =	simm.s32 @!p2 $0x0  }
0x16: {  	s3 =	sld [smem:$0x3FDB];
	s0 =	simm.s32 @p2 $0x1  }
0x17: {  	s4 =	simm.s32 $0x1BF5;
	[smem:$0x3FB2] =	sst s0  }
0x18: {  	s0 =	sld [smem:$0x3F95];
	_ =	swait.ge [sflag:s4], $0x0  }
0x19: {  	s7 =	sld [smem:$0x3F96]  }
0x1a: {  	s8 =	sadd.s32 $0xFFFFE003, lr  }
0x1b: {  	s9 =	sadd.s32 $0xFFFFFEF7, lr;
	s5 =	simm.s32 $0xFFFFFFFF;
	p2 =	slt.u32 s8, $0xFFFFF086  }
0x1c: {  	p1 =	slt.u32 s9, $0xF7A;
	s5 =	simm.s32 @!p2 $0x0  }
0x1d: {  	s5 =	simm.s32 @p1 $0x1;
	p0 =	seq.s32 s7, s2  }
0x1e: {  	s7 =	smul.u32 @!p0 $0xF7A, s2;
	p2 =	seq.s32 @!p0 s5, $0x0  }
0x1f: {  	s9 =	smul.u32 $0xF7A, s1;
	s8 =	simm.s32 @!p0 $0x1BF5;
	p2 =	por !p2, p0  }
0x20: {  	[sflag:s8] =	ssyncset.s32 @!p0 $0xFFFFF086;
	s6 =	sadd.s32 @!p0 s3, s7;
	s7 =	simm.s32 @!p0 $0x108  }
0x21: {  	s3 =	sadd.s32 s3, s9;
	s6 =	sadd.s32 @!p0 $0x88, s6;
	s7 =	simm.s32 @p2 $0x1082  }
0x22: {  	[simem:s7], [sflag:s8] =	dma.local @!p0 [hbm:s6], $0xF7A  }
0x23: {  	s9 =	sor.u32 $0xD0000000, s2;
	s6 =	simm.s32 $0x108;
	_ =	swait.ge @!p0 [sflag:s8], $0x0  }
0x24: {  	s3 =	sadd.s32 $0x88, s3;
	s6 =	simm.s32 @!p1 $0x1082;
	[sflag:s4] =	ssyncset.s32 $0xFFFFF086  }
0x25: {  	[simem:s6], [sflag:s4] =	dma.local [hbm:s3], $0xF7A  }
0x26: {  	[smem:$0x3F96] =	sst s1;
	(tag) =	ssettag s2;
	_ =	strace s9  }
0x27: {  	s1 =	sld [smem:$0x3FA6]  }
0x28: {  	s2 =	sld [smem:$0x3FA7]  }
0x29: {  	s4 =	sld [smem:$0x3FA9]  }
0x2a: {  	p0 =	seq.s32 s5, $0x0;
	s5 =	sld [smem:$0x3FAA]  }
0x2b: {  	s6 =	sld [smem:$0x3FAB]  }
0x2c: {  	s7 =	sld [smem:$0x3FAC]  }
0x2d: {  	s3 =	simm.s32 $0x108;
	s8 =	sld [smem:$0x3FAD]  }
0x2e: {  	s3 =	simm.s32 @!p0 $0x1082;
	s9 =	sld [smem:$0x3FAE]  }
0x2f: {  	lr =	sadd.s32 s0, s3;
	s0 =	sld [smem:$0x3FA5]  }
0x30: {  	s3 =	sld [smem:$0x3FA8]  }
0x31: {  	[smem:$0x3FB1] =	sst s10  }
0x32: {  	s10 =	sld [smem:$0x3FAF];
	_ =	sdelay $0x3  }
0x33: {  	p0 =	seq.s32 s10, $0x1;
	s10 =	sld [smem:$0x3FB1];
	_ =	sdelay $0x3  }
0x34: {  	[smem:$0x3FB1] =	sst s10  }
0x35: {  	s10 =	sld [smem:$0x3FB0];
	_ =	sdelay $0x3  }
0x36: {  	p1 =	seq.s32 s10, $0x1;
	s10 =	sld [smem:$0x3FB1];
	_ =	sdelay $0x3  }
0x37: {  	[smem:$0x3FB1] =	sst s10  }
0x38: {  	s10 =	sld [smem:$0x3FB2]  }
0x39: {  	_ = 	snop;
	(pc) =	sbr.ind lr, $3  }
0x3a: {  	_ = 	snop  }
0x3b: {  	_ = 	snop  }
0x3c: {  	p2 =	seq.s32 s10, $0x1;
	s10 =	sld [smem:$0x3FB1]  }
0x3d: {  	_ =	shalt  }
0x3e: {  	_ =	shalt  }
0x3f: {  	_ =	shalt  }
0x40: {  	_ =	shalt  }
0x41: {  	_ =	shalt  }
0x42: {  	_ =	shalt  }
0x43: {  	_ =	shalt  }
0x44: {  	_ =	shalt  }
0x45: {  	_ =	shalt  }
0x46: {  	_ =	shalt  }
0x47: {  	_ =	shalt  }
0x48: {  	_ =	shalt  }
0x49: {  	_ =	shalt  }
0x4a: {  	_ =	shalt  }
0x4b: {  	_ =	shalt  }
0x4c: {  	_ =	shalt  }
0x4d: {  	_ =	shalt  }
0x4e: {  	_ =	shalt  }
0x4f: {  	_ =	shalt  }
0x50: {  	_ =	shalt  }
0x51: {  	_ =	shalt  }
0x52: {  	_ =	shalt  }
0x53: {  	_ =	shalt  }
0x54: {  	_ =	shalt  }
0x55: {  	_ =	shalt  }
0x56: {  	_ =	shalt  }
0x57: {  	_ =	shalt  }
0x58: {  	_ =	shalt  }
0x59: {  	_ =	shalt  }
0x5a: {  	_ =	shalt  }
0x5b: {  	_ =	shalt  }
0x5c: {  	_ =	shalt  }
0x5d: {  	_ =	shalt  }
0x5e: {  	_ =	shalt  }
0x5f: {  	_ =	shalt  }
0x60: {  	_ =	shalt  }
0x61: {  	_ =	shalt  }
0x62: {  	_ =	shalt  }
0x63: {  	_ =	shalt  }
0x64: {  	_ =	shalt  }
0x65: {  	_ =	shalt  }
0x66: {  	_ =	shalt  }
0x67: {  	_ =	shalt  }
0x68: {  	_ =	shalt  }
0x69: {  	_ =	shalt  }
0x6a: {  	_ =	shalt  }
0x6b: {  	_ =	shalt  }
0x6c: {  	_ =	shalt  }
0x6d: {  	_ =	shalt  }
0x6e: {  	_ =	shalt  }
0x6f: {  	_ =	shalt  }
0x70: {  	_ =	shalt  }
0x71: {  	_ =	shalt  }
0x72: {  	_ =	shalt  }
0x73: {  	_ =	shalt  }
0x74: {  	_ =	shalt  }
0x75: {  	_ =	shalt  }
0x76: {  	_ =	shalt  }
0x77: {  	_ =	shalt  }
0x78: {  	_ =	shalt  }
0x79: {  	_ =	shalt  }
0x7a: {  	_ =	shalt  }
0x7b: {  	_ =	shalt  }
0x7c: {  	_ =	shalt  }
0x7d: {  	_ =	shalt  }
0x7e: {  	_ =	shalt  }
0x7f: {  	_ =	shalt  }
0x80: {  	_ =	shalt  }
0x81: {  	_ =	shalt  }
0x82: {  	_ =	shalt  }
0x83: {  	_ =	shalt  }
0x84: {  	_ =	shalt  }
0x85: {  	_ =	shalt  }
0x86: {  	_ =	shalt  }
0x87: {  	_ =	shalt  }
.Lfunc_end0:
.L_simem_size_0:
called_computation_lowered:
.L_overlay_start_0:
0x88: {  	s2 =	sld [smem:$0x3FD9]  }
0x89: {  	s3 =	sld [smem:$0x3FFE];
	_ =	sdelay $0x1  }
0x8a: {  	s1 =	srdreg.scid  }
0x8b: {  	s0 =	sand.u32 $0x1, s1  }
0x8c: {  	s17 =	sshll.u32 s0, $0xA;
	s2 =	sadd.s32 s3, s2  }
0x8d: {  	s2 =	sadd.s32 s2, s17  }
0x8e: {  	[smem:$0x3FBD] =	sst s2  }
0x8f: {  	_ = 	snop  }
0x90: {  	s2 =	sld [smem:$0x3FD0];
	(tm) =	ssettm $0x1  }
0x91: {  	s18 =	sld [smem:$0x3FFB];
	_ =	sdelay $0x3  }
0x92: {  	_ =	strace s18  }
0x93: {  	s3 =	sld [smem:$0x3FFC];
	_ =	sdelay $0x3  }
0x94: {  	_ =	strace s3  }
0x95: {  	s3 =	sld [smem:$0x3FFD];
	_ =	sdelay $0x3  }
0x96: {  	_ =	strace s3  }
0x97: {  	_ =	strace $0x8FFFFFFF  }
0x98: {  	s19 =	sld [smem:$0x3FDB];
	_ =	sdelay $0x1  }
0x99: {  	s4 =	simm.s32 $_scs_section_size  }
0x9a: {  	s5 =	simm.s32 $_size__tile_overlayer_lowered;
	s6 =	simm.s32 $_tile_overlayer_lowered  }
0x9b: {  	s22 =	simm.s32 $0x1BFF;
	s21 =	sshll.u32 s6, $0x1;
	s3 =	sadd.s32 s4, s19  }
0x9c: {  	s7 =	simm.s32 $0x0;
	s20 =	sshll.u32 s5, $0x1;
	s5 =	sadd.s32 s21, s3  }
0x9d: {  	[timem:s7], [sflag:s22] =	dma.local [hbm:s5], s20  }
0x9e: {  	_ =	swait.ge [sflag:s22], s20  }
0x9f: {  	s4 =	ssub.s32 $0x0, s20;
	[sflag:s22] =	ssyncset.done $0x0  }
0xa0: {  	[sflag:s22] =	ssyncadd.s32 s4;
	_ =	sdelay $0x1  }
0xa1: {  	s23 =	simm.s32 $0x1B8B  }
0xa2: {  	_ =	swait.ge [sflag:s23], $0x1  }
0xa3: {  	[sflag:s23] =	ssyncset.done $0x0  }
0xa4: {  	s25 =	simm.s32 $0x1B8E;
	s24 =	sld [smem:$0x3FFE];
	[sflag:s23] =	ssyncadd.s32 $0xFFFFFFFF  }
0xa5: {  	s26 =	simm.s32 $execute0_lowered;
	[smem:$0x3FD2] =	sst s25  }
0xa6: {  	s5 =	sshll.u32 s26, $0x1;
	_ =	strace $0x80000046;
	[dreg:$0x1] =	wrdreg $0xFFFFFFFF  }
0xa7: {  	s28 =	simm.s32 $_size_execute0_lowered;
	s3 =	sadd.s32 s3, s5;
	[dreg:$0x0] =	wrdreg $0x0  }
0xa8: {  	s5 =	sshll.u32 s28, $0x1;
	[dreg:$0x2] =	wrdreg s3  }
0xa9: {  	[dreg:$0x3] =	wrdreg s5  }
0xaa: {  	[dreg:$0x4] =	wrdreg $0xC0  }
0xab: {  	_ =	task [dreg:s7], $0x5FFFF  }
0xac: {  	[dreg:$0x1] =	wrdreg $0xFFFFFFFF  }
0xad: {  	[dreg:$0x0] =	wrdreg $0x60  }
0xae: {  	[dreg:$0x2] =	wrdreg s24  }
0xaf: {  	[dreg:$0x3] =	wrdreg s2  }
0xb0: {  	[dreg:$0x4] =	wrdreg $0xC6000  }
0xb1: {  	[dreg:$0x5] =	wrdreg $0x116000  }
0xb2: {  	[dreg:$0x6] =	wrdreg $0x9  }
0xb3: {  	_ =	task.clear_ibuf [dreg:s7], $0x7FFFF;
	_ =	strace $0x90000046  }
0xb4: {  	s29 =	simm.s32 $0x9;
	_ =	strace $0x80000048  }
0xb5: {  	_ =	swait.ge [sflag:s29], $0x1  }
0xb6: {  	[sflag:s29] =	ssyncadd.s32 $0xFFFFFFFF  }
0xb7: {  	_ =	strace $0x90000048  }
0xb8: {  	_ =	sfence  }
0xb9: {  	s30 =	sld [smem:$0x0];
	_ =	sdelay $0x2  }
0xba: {  	s31 =	sshll.u32 s1, $0xD;
	s1 =	sshrl.u32 s1, $0x2  }
0xbb: {  	s3 =	sand.u32 $0x4000, s31;
	s1 =	sadd.s32 s1, s30  }
0xbc: {  	s0 =	sor.u32 s3, s0;
	s1 =	sshll.u32 s1, $0x11  }
0xbd: {  	s0 =	sor.u32 s1, s0  }
0xbe: {  	s0 =	sadd.s32 $0x8F2B, s0  }
0xbf: {  	[sflag:s0] =	ssyncadd.remote.s32 $0x1  }
0xc0: {  	_ =	sfence.sel $0xFFFF  }
0xc1: {  	[dreg:$0x0] =	wrdreg $0xFFFFFFFF;
	(pc) =	sbr.abs _section_cstart, $3  }
0xc2: {  	[dreg:$0x1] =	wrdreg $0xFFFFFFFF  }
0xc3: {  	_ =	task.clear_ibuf [dreg:s7], $0x2FFFF;
	_ =	strace $0x9FFFFFFF  }
0xc4: {  	(tm) =	ssettm $0x7FFFFFFF  }
0xc5: {  	_ =	shalt  }
tec
execute0_lowered:
.L_overlay_start_1:
0x0: {  	(tag) =	ssettag $0x1  }
0x1: {  	s0 =	rddreg [dreg:$0x0]  }
0x2: {  	s1 =	rddreg [dreg:$0x1]  }
0x3: {  	s2 =	rddreg [dreg:$0x2];
	s12 =	stileid.u32  }
0x4: {  	s4 =	srdreg.scid;
	s7 =	smul.u32 $0x4F00, s12  }
0x5: {  	s3 =	rddreg [dreg:$0x3];
	s28 =	simm.s32 $0x1;
	s9 =	smul.u32 $0x2800, s12  }
0x6: {  	s29 =	simm.s32 $0x3;
	s31 =	simm.s32 $0x4;
	s16 =	smul.u32 $0xA000, s12  }
0x7: {  	s6 =	sand.u32 $0x1, s4;
	s4 =	simm.s32 $0x0;
	s17 =	smul.u32 $0x280, s12  }
0x8: {  	s30 =	simm.s32 $0x5;
	s5 =	smul.u32 $0x4F000, s6;
	[smem:$0x7FF] =	sst s4  }
0x9: {  	s10 =	smul.u32 $0x28000, s6;
	s11 =	ssub.s32 $0x2, s6;
	p0 =	sne.s32 s6, $0x0  }
0xa: {  	p1 =	seq.s32 s6, $0x0;
	_ =	strace $0x80000047;
	s13 =	sshrl.u32 s11, $0x1  }
0xb: {  	s14 =	sshrl.u32 s16, $0x1;
	s15 =	sadd.s32 $0x80, s17;
	s21 =	sadd.s32 $0x180, s17  }
0xc: {  	s24 =	sadd.s32 $0x200, s17;
	s8 =	sadd.s32 s7, s5;
	s5 =	sadd.s32 $0x2800, s0  }
0xd: {  	s7 =	sshrl.u32 s7, $0x3;
	s10 =	sadd.s32 s9, s10;
	s9 =	sadd.s32 s9, s3  }
0xe: {  	s18 =	sshll.u32 s15, $0x5;
	s26 =	sshll.u32 s24, $0x5;
	s8 =	sshrl.u32 s8, $0x3  }
0xf: {  	s7 =	sadd.s32 s7, s0;
	s10 =	sshrl.u32 s10, $0x3;
	s8 =	sadd.s32 s8, s0  }
0x10: {  	s0 =	sadd.s32 s10, s0;
	s10 =	ssub.s32 s11, s13;
	s7 =	sadd.s32 $0x29E00, s7  }
0x11: {  	s13 =	sadd.s32 $0x100, s17;
	s11 =	sadd.s32 s18, s2;
	[dreg:$0x6] =	wrdreg s7  }
0x12: {  	s18 =	smul.u32 $0xA0000, s6;
	s8 =	sadd.s32 $0x16200, s8;
	[dreg:$0x7] =	wrdreg s11  }
0x13: {  	s7 =	sshll.u32 s15, $0x4;
	s19 =	sshll.u32 s13, $0x5;
	s22 =	sshll.u32 s13, $0x4  }
0x14: {  	[dreg:$0x5] =	wrdreg s8;
	s8 =	sadd.s32 s14, s2;
	s7 =	sadd.s32 s7, s3  }
0x15: {  	s20 =	sadd.s32 s19, s2;
	s14 =	sshll.u32 s21, $0x5;
	s11 =	sadd.s32 s22, s3  }
0x16: {  	s25 =	sadd.s32 s16, s18;
	s16 =	sadd.s32 s26, s2;
	[dreg:$0x8] =	wrdreg s7  }
0x17: {  	s19 =	sadd.s32 $0x33C00, s0;
	s22 =	simm.s32 $0x4F00;
	[dreg:$0x9] =	wrdreg s20  }
0x18: {  	s26 =	simm.s32 $0xAE00;
	s0 =	simm.s32 $0x2;
	[dreg:$0xa] =	wrdreg s11  }
.Ltmp0:
0x19: {  	s23 =	sadd.s32 s14, s2;
	s7 =	sshll.u32 s21, $0x4;
	(pc) =	sbr.rel .LBB2_1-.Ltmp0, $4  }
0x1a: {  	s11 =	sshrl.u32 s25, $0x4;
	s20 =	smax.u32 s10, $0x1;
	s21 =	simm.s32 $0x6  }
0x1b: {  	s25 =	simm.s32 $0x80;
	[dreg:$0xb] =	wrdreg s23;
	s15 =	sadd.s32 s7, s3  }
0x1c: {  	s7 =	sshll.u32 s24, $0x4;
	s18 =	sadd.s32 s1, s11;
	s23 =	simm.s32 $0x9E00  }
0x1d: {  	v0 =	vimm.bf16 $0.0e+00;
	v1 =	vimm.f32 $0.0e+00;
	v2 =	vimm.f32 $1.000000000e+00;
	s24 =	simm.s32 $0xBE00;
	s1 =	simm.s32 $0x0;
	s17 =	sadd.s32 s7, s3  }
.LBB2_9:
0x1e: {  	_ =	swait.ge [sflag:s31], $0x1000  }
0x1f: {  	[sflag:s31] =	ssyncset.done $0x0  }
0x20: {  	[sflag:s31] =	ssyncadd.s32 $0xFFFFF000  }
.LBB2_11:
0x21: {  	_ =	swait.ge [sflag:s30], $0x800  }
0x22: {  	s6 =	stileid.u32;
	[sflag:s30] =	ssyncset.done $0x0  }
0x23: {  	s6 =	sshll.u32 s6, $0x6;
	[sflag:s30] =	ssyncadd.s32 $0xFFFFF800  }
0x24: {  	s7 =	sshrl.u32 s8, $0x3;
	s6 =	sor.u32 $0x1C06, s6;
	[bflag:$0x0] =	sbarrier.arrive $0xFFFF  }
0x25: {  	[hbm:s18], [sflag:s6] =	dma.local [spmem:s7], $0xA00  }
0x26: {  	s1 =	sadd.s32 $0x1, s1;
	_ =	swait.ge [sflag:s21], $0xA00  }
0x27: {  	p2 =	sne.s32 s1, s20;
	[sflag:s21] =	ssyncset.done $0x0  }
.Ltmp1:
0x28: {  	s14 =	sshrl.u32 s9, $0x3;
	[sflag:s21] =	ssyncadd.s32 $0xFFFFF600;
	(pc) =	sbr.rel @!p2 .LBB2_12-.Ltmp1, $4  }
0x29: {  	[hbm:s19], [sflag:s6] =	dma.local [spmem:s14], $0x500  }
0x2a: {  	_ =	swait.ge [sflag:s21], $0x500  }
0x2b: {  	[sflag:s21] =	ssyncset.done $0x0  }
0x2c: {  	[sflag:s21] =	ssyncadd.s32 $0xFFFFFB00  }
.LBB2_1:
0x2d: {  	s6 =	rddreg [dreg:$0x5]  }
0x2e: {  	[tilespmem:s4], [sflag:$0x6] =	stream.linear.gather [hbm4b:s6+s4], $0x4F00, $0x38;
	[tilespmem:$0x13E00] =	vst v63  }
0x2f: {  	_ =	swait.ge [sflag:s21], $0x4F00  }
0x30: {  	[sflag:s21] =	ssyncset.done $0x0  }
0x31: {  	s14 =	rddreg [dreg:$0x6];
	[sflag:s21] =	ssyncadd.s32 $0xFFFFB100  }
0x32: {  	[tilespmem:s22], [sflag:$0x6] =	stream.linear.gather [hbm4b:s14+s4], $0x4F00, $0x38;
	[tilespmem:$0x13E00] =	vst v63  }
0x33: {  	_ =	swait.ge [sflag:s21], $0x4F00  }
0x34: {  	[sflag:s21] =	ssyncset.done $0x0  }
0x35: {  	s7 =	simm.s32 $0x0;
	s6 =	simm.s32 $0x0;
	[sflag:s21] =	ssyncadd.s32 $0xFFFFB100  }
.LBB2_2:
0x36: {  	p2 =	sne.s32 s7, $0x3FC0  }
.Ltmp2:
0x37: {  	_ = 	snop;
	(pc) =	sbr.rel @p2 .LBB2_2-.Ltmp2, $4  }
0x38: {  	s10 =	sand.u32 $0x20, s6;
	s11 =	sand.u32 $0x3F80, s7  }
0x39: {  	s11 =	sshrl.u32 s11, $0x2;
	s10 =	sshrl.u32 s10, $0x1  }
0x3a: {  	s10 =	sor.u32 s10, s11  }
0x3b: {  	s6 =	sadd.s32 $0x20, s6;
	s7 =	sadd.s32 $0x40, s7;
	[tilespmem:s10+$0x9E00] =	vst v0  }
0x3c: {  	s6 =	simm.s32 $0x40;
	s7 =	simm.s32 $0x0  }
.LBB2_4:
0x3d: {  	p2 =	sne.s32 s6, $0x1FC0;
	[tilespmem:s7+$0xBE00] =	vst v1;
	s7 =	smov.u32 s6;
	s6 =	sadd.s32 $0x40, s6  }
.Ltmp3:
0x3e: {  	(pc) =	sbr.rel @p2 .LBB2_4-.Ltmp3, $2  }
0x3f: {  	_ =	sdelay $0x2  }
0x40: {  	s7 =	sshra.s32 s7, $0x2  }
0x41: {  	[tilespmem:s7+$0xBE00] =	vst v1  }
0x42: {  	[spmem:s8] =	stream.linear.scatter [tilespmem:s23], [sflag:$0x6], $0x1000, $0x38;
	[tilespmem:$0x13E00] =	vst v63  }
0x43: {  	_ =	swait.ge [sflag:s21], $0x1000  }
0x44: {  	[sflag:s21] =	ssyncset.done $0x0  }
0x45: {  	[sflag:s21] =	ssyncadd.s32 $0xFFFFF000  }
0x46: {  	[spmem:s9] =	stream.linear.scatter [tilespmem:s24], [sflag:$0x6], $0x800, $0x38;
	[tilespmem:$0x13E00] =	vst v63  }
0x47: {  	_ =	swait.ge [sflag:s21], $0x800  }
0x48: {  	[sflag:s21] =	ssyncset.done $0x0  }
0x49: {  	s6 =	rddreg [dreg:$0x7];
	[sflag:s21] =	ssyncadd.s32 $0xFFFFF800  }
0x4a: {  	[spmem:s6] =	stream.linear.scatter [tilespmem:s23], [sflag:$0x6], $0x1000, $0x38;
	[tilespmem:$0x13E00] =	vst v63  }
0x4b: {  	_ =	swait.ge [sflag:s21], $0x1000  }
0x4c: {  	[sflag:s21] =	ssyncset.done $0x0  }
0x4d: {  	s11 =	rddreg [dreg:$0x8];
	[sflag:s21] =	ssyncadd.s32 $0xFFFFF000  }
0x4e: {  	[spmem:s11] =	stream.linear.scatter [tilespmem:s24], [sflag:$0x6], $0x800, $0x38;
	[tilespmem:$0x13E00] =	vst v63  }
0x4f: {  	_ =	swait.ge [sflag:s21], $0x800  }
0x50: {  	[sflag:s21] =	ssyncset.done $0x0  }
0x51: {  	s12 =	rddreg [dreg:$0x9];
	[sflag:s21] =	ssyncadd.s32 $0xFFFFF800  }
0x52: {  	[spmem:s12] =	stream.linear.scatter [tilespmem:s23], [sflag:$0x6], $0x1000, $0x38;
	[tilespmem:$0x13E00] =	vst v63  }
0x53: {  	_ =	swait.ge [sflag:s21], $0x1000  }
0x54: {  	[sflag:s21] =	ssyncset.done $0x0  }
0x55: {  	s13 =	rddreg [dreg:$0xa];
	[sflag:s21] =	ssyncadd.s32 $0xFFFFF000  }
0x56: {  	[spmem:s13] =	stream.linear.scatter [tilespmem:s24], [sflag:$0x6], $0x800, $0x38;
	[tilespmem:$0x13E00] =	vst v63  }
0x57: {  	_ =	swait.ge [sflag:s21], $0x800  }
0x58: {  	[sflag:s21] =	ssyncset.done $0x0  }
0x59: {  	s14 =	rddreg [dreg:$0xb];
	[sflag:s21] =	ssyncadd.s32 $0xFFFFF800  }
0x5a: {  	[spmem:s14] =	stream.linear.scatter [tilespmem:s23], [sflag:$0x6], $0x1000, $0x38;
	[tilespmem:$0x13E00] =	vst v63  }
0x5b: {  	_ =	swait.ge [sflag:s21], $0x1000  }
0x5c: {  	[sflag:s21] =	ssyncset.done $0x0  }
0x5d: {  	[sflag:s21] =	ssyncadd.s32 $0xFFFFF000  }
0x5e: {  	[spmem:s15] =	stream.linear.scatter [tilespmem:s24], [sflag:$0x6], $0x800, $0x38;
	[tilespmem:$0x13E00] =	vst v63  }
0x5f: {  	_ =	swait.ge [sflag:s21], $0x800  }
0x60: {  	[sflag:s21] =	ssyncset.done $0x0  }
0x61: {  	[sflag:s21] =	ssyncadd.s32 $0xFFFFF800  }
0x62: {  	[spmem:s16] =	stream.linear.scatter [tilespmem:s23], [sflag:$0x6], $0x1000, $0x38;
	[tilespmem:$0x13E00] =	vst v63  }
0x63: {  	_ =	swait.ge [sflag:s21], $0x1000  }
0x64: {  	[sflag:s21] =	ssyncset.done $0x0  }
0x65: {  	[sflag:s21] =	ssyncadd.s32 $0xFFFFF000  }
0x66: {  	[spmem:s17] =	stream.linear.scatter [tilespmem:s24], [sflag:$0x6], $0x800, $0x38;
	[tilespmem:$0x13E00] =	vst v63  }
0x67: {  	_ =	swait.ge [sflag:s21], $0x800  }
0x68: {  	[sflag:s21] =	ssyncset.done $0x0  }
0x69: {  	s7 =	simm.s32 $0x0;
	s6 =	simm.s32 $0x40;
	[sflag:s21] =	ssyncadd.s32 $0xFFFFF800  }
.LBB2_6:
0x6a: {  	p2 =	sne.s32 s6, $0x1FC0;
	[tilespmem:s7+$0xBE00] =	vst v2;
	s7 =	smov.u32 s6;
	s6 =	sadd.s32 $0x40, s6  }
.Ltmp4:
0x6b: {  	(pc) =	sbr.rel @p2 .LBB2_6-.Ltmp4, $2  }
0x6c: {  	_ =	sdelay $0x2  }
0x6d: {  	s7 =	sshra.s32 s7, $0x2  }
0x6e: {  	[tilespmem:s7+$0xBE00] =	vst v2  }
0x6f: {  	[bflag:$0x0] =	sbarrier.arrive $0xFFFF  }
0x70: {  	[tilespmem:s23], [sflag:$0x1] =	stream.indirect.gather [hbm4b:s5+s25], $0x20, s4, s25, $0xb8;
	[tilespmem:$0x13E00] =	vst v63  }
0x71: {  	_ = 	snop  }
0x72: {  	[tilespmem:s26], [sflag:$0x2] =	stream.indirect.gather [hbm4b:s5+s25], $0x20, s25, s25, $0xb8;
	[tilespmem:$0x13E00] =	vst v63  }
0x73: {  	_ =	swait.ge [sflag:s28], $0x1000  }
0x74: {  	[sflag:s28] =	ssyncset.done $0x0  }
0x75: {  	s6 =	simm.s32 @p0 $0x2;
	[sflag:s28] =	ssyncadd.s32 $0xFFFFF000  }
0x76: {  	[spmem:s2] =	stream.indirect.scatter.add.bf16 [tilespmem:s23], [sflag:$0x3], $0x20, s22, s25, $0xb8;
	[tilespmem:$0x13E00] =	vst v63  }
0x77: {  	_ =	swait.ge @p0 [sflag:s6], $0x1000  }
0x78: {  	s7 =	simm.s32 @p0 $0x4F80;
	[sflag:s6] =	ssyncset.done @p0 $0x0  }
0x79: {  	s10 =	simm.s32 @p0 $0xAE00;
	[sflag:s6] =	ssyncadd.s32 @p0 $0xFFFFF000;
	s6 =	simm.s32 @p0 $0x80  }
0x7a: {  	[spmem:s2] =	stream.indirect.scatter.add.bf16 @p0 [tilespmem:s10], [sflag:$0x4], $0x20, s7, s6, $0xb8;
	[tilespmem:$0x13E00] =	vst v63  }
0x7b: {  	s10 =	simm.s32 @p0 $0xBE00  }
0x7c: {  	[spmem:s3] =	stream.indirect.scatter.add.f32 @p0 [tilespmem:s10], [sflag:$0x5], $0x10, s7, s6, $0xb8;
	[tilespmem:$0x13E00] =	vst v63  }
0x7d: {  	s6 =	simm.s32 @!p0 $0x80;
	s10 =	simm.s32 @!p0 $0x4F00;
	s7 =	simm.s32 @!p0 $0xBE00  }
0x7e: {  	[spmem:s3] =	stream.indirect.scatter.add.f32 @!p0 [tilespmem:s7], [sflag:$0x5], $0x10, s10, s6, $0xb8;
	[tilespmem:$0x13E00] =	vst v63  }
0x7f: {  	s10 =	simm.s32 @!p0 $0x2  }
0x80: {  	_ =	swait.ge @!p0 [sflag:s10], $0x1000  }
0x81: {  	[sflag:s10] =	ssyncset.done @!p0 $0x0  }
0x82: {  	s11 =	simm.s32 @!p0 $0xAE00;
	[sflag:s10] =	ssyncadd.s32 @!p0 $0xFFFFF000;
	s10 =	simm.s32 @!p0 $0x4F80  }
0x83: {  	[spmem:s2] =	stream.indirect.scatter.add.bf16 @!p0 [tilespmem:s11], [sflag:$0x4], $0x20, s10, s6, $0xb8;
	[tilespmem:$0x13E00] =	vst v63  }
0x84: {  	_ =	swait.ge [sflag:s29], $0x1000  }
0x85: {  	[sflag:s29] =	ssyncset.done $0x0  }
0x86: {  	s13 =	simm.s32 $0x100;
	[sflag:s29] =	ssyncadd.s32 $0xFFFFF000  }
0x87: {  	[tilespmem:s23], [sflag:$0x1] =	stream.indirect.gather [hbm4b:s5+s25], $0x20, s13, s25, $0xb8;
	[tilespmem:$0x13E00] =	vst v63  }
0x88: {  	_ =	swait.ge [sflag:s31], $0x1000  }
0x89: {  	[sflag:s31] =	ssyncset.done $0x0  }
0x8a: {  	s14 =	simm.s32 $0x180;
	s10 =	simm.s32 $0x0;
	[sflag:s31] =	ssyncadd.s32 $0xFFFFF000  }
0x8b: {  	[tilespmem:s26], [sflag:$0x2] =	stream.indirect.gather [hbm4b:s5+s25], $0x20, s14, s25, $0xb8;
	[tilespmem:$0x13E00] =	vst v63  }
.LBB2_8:
0x8c: {  	_ =	swait.ge [sflag:s28], $0x1000  }
0x8d: {  	s11 =	sshra.s32 s10, $0x2;
	[sflag:s28] =	ssyncset.done $0x0  }
0x8e: {  	s13 =	simm.s32 @!p0 $0x5;
	s12 =	sadd.s32 $0x5000, s11;
	[sflag:s28] =	ssyncadd.s32 $0xFFFFF000  }
0x8f: {  	[spmem:s2] =	stream.indirect.scatter.add.bf16 [tilespmem:s23], [sflag:$0x3], $0x20, s12, s25, $0xb8;
	[tilespmem:$0x13E00] =	vst v63  }
0x90: {  	_ =	swait.ge @!p0 [sflag:s13], $0x800  }
0x91: {  	[sflag:s13] =	ssyncset.done @!p0 $0x0  }
0x92: {  	[sflag:s13] =	ssyncadd.s32 @!p0 $0xFFFFF800  }
0x93: {  	[spmem:s3] =	stream.indirect.scatter.add.f32 @!p0 [tilespmem:s7], [sflag:$0x5], $0x10, s12, s6, $0xb8;
	[tilespmem:$0x13E00] =	vst v63  }
0x94: {  	_ =	swait.ge [sflag:s0], $0x1000  }
0x95: {  	[sflag:s0] =	ssyncset.done $0x0  }
0x96: {  	s13 =	simm.s32 @!p1 $0x5;
	s12 =	sadd.s32 $0x5080, s11;
	[sflag:s0] =	ssyncadd.s32 $0xFFFFF000  }
0x97: {  	[spmem:s2] =	stream.indirect.scatter.add.bf16 [tilespmem:s26], [sflag:$0x4], $0x20, s12, s25, $0xb8;
	[tilespmem:$0x13E00] =	vst v63  }
0x98: {  	_ =	swait.ge @!p1 [sflag:s13], $0x800  }
0x99: {  	s14 =	simm.s32 @!p1 $0xBE00;
	p2 =	sne.s32 s10, $0x13400;
	[sflag:s13] =	ssyncset.done @!p1 $0x0  }
.Ltmp5:
0x9a: {  	[sflag:s13] =	ssyncadd.s32 @!p1 $0xFFFFF800;
	s13 =	simm.s32 @!p1 $0x80;
	(pc) =	sbr.rel @!p2 .LBB2_9-.Ltmp5, $4  }
0x9b: {  	[spmem:s3] =	stream.indirect.scatter.add.f32 @!p1 [tilespmem:s14], [sflag:$0x5], $0x10, s12, s13, $0xb8;
	[tilespmem:$0x13E00] =	vst v63  }
0x9c: {  	_ =	swait.ge [sflag:s29], $0x1000  }
0x9d: {  	[sflag:s29] =	ssyncset.done $0x0  }
0x9e: {  	[sflag:s29] =	ssyncadd.s32 $0xFFFFF000  }
0x9f: {  	s12 =	sadd.s32 $0x200, s11;
	s10 =	sadd.s32 $0x400, s10  }
0xa0: {  	[tilespmem:s23], [sflag:$0x1] =	stream.indirect.gather [hbm4b:s5+s25], $0x20, s12, s25, $0xb8;
	[tilespmem:$0x13E00] =	vst v63  }
0xa1: {  	p2 =	sne.s32 s10, $0x13800  }
.Ltmp6:
0xa2: {  	_ = 	snop;
	(pc) =	sbr.rel @p2 .LBB2_8-.Ltmp6, $4  }
.Ltmp7:
0xa3: {  	_ =	swait.ge [sflag:s31], $0x1000;
	(pc) =	sbr.rel @!p2 .LBB2_11-.Ltmp7, $4  }
0xa4: {  	[sflag:s31] =	ssyncset.done $0x0  }
0xa5: {  	s14 =	sadd.s32 $0x280, s11;
	[sflag:s31] =	ssyncadd.s32 $0xFFFFF000  }
0xa6: {  	[tilespmem:s26], [sflag:$0x2] =	stream.indirect.gather [hbm4b:s5+s25], $0x20, s14, s25, $0xb8;
	[tilespmem:$0x13E00] =	vst v63  }
0xa7: {  	_ = 	snop  }
.LBB2_12:
0xa8: {  	_ =	sfence.sel $0x180000  }
0xa9: {  	[bflag:$0x0] =	sbarrier.arrive $0xFFFF  }
0xaa: {  	_ =	strace $0x90000047  }
0xab: {  	s0 =	stileid.u32;
	[bflag:$0x2] =	sbarrier.arrive $0xFFFF  }
0xac: {  	p0 =	sne.s32 s0, $0x0;
	s0 =	rddreg [dreg:$0x4]  }
0xad: {  	s0 =	sadd.s32 @!p0 $0x100000, s0  }
0xae: {  	[sflag:s0] =	ssyncadd.tile.s32 @!p0 $0x1;
	_ =	shalt  }
.Lfunc_end2:
_tile_overlayer_lowered:
.L_overlay_start_2:
0xaf: {  	(tag) =	ssettag $0x2  }
0xb0: {  	s0 =	rddreg [dreg:$0x0];
	s2 =	stileid.u32  }
0xb1: {  	s1 =	rddreg [dreg:$0x1];
	p0 =	sne.s32 s2, $0x0  }
0xb2: {  	s3 =	rddreg [dreg:$0x2];
	[bflag:$0x3] =	sbarrier.arrive $0xFFFF;
	s2 =	simm.s32 @!p0 $0x1C06  }
0xb3: {  	[timem:s3], [sflag:s2] =	dma.local @!p0 [hbm:s0], s1  }
0xb4: {  	s0 =	simm.s32 @!p0 $0x6  }
0xb5: {  	_ =	swait.ge @!p0 [sflag:s0], s1  }
0xb6: {  	s1 =	ssub.s32 @!p0 $0x0, s1;
	[sflag:s0] =	ssyncset.done @!p0 $0x0  }
0xb7: {  	[sflag:s0] =	ssyncadd.s32 @!p0 s1  }
0xb8: {  	[bflag:$0x3] =	sbarrier.arrive $0xFFFF  }
0xb9: {  	_ =	shalt  }

</sc_bundles>
